<compile_context>
chip_gen: v7x
topology: tpu7x:2x2x1
jax: 0.10.2.dev20260603
libtpu: 0.0.44.dev20260713+nightly
codegen_flags: <defaults>
</compile_context>

<pallas_src>
import functools

import jax
import jax.numpy as jnp
from jax import lax
from jax.experimental import pallas as pl
from jax.experimental.pallas import tpu as pltpu
from jax.experimental.pallas import tpu_sc as plsc

T, H = 2048, 1024
NH, NKV, HD = 16, 4, 64
E, TOPK, INTER = 8, 2, 2048
WINDOW = 1024
THETA = 10000.0
EPS = 1e-5

QKV_N = NH * HD + 2 * NKV * HD
NA = T * TOPK
TM = 256
MAXT = NA // TM + E
XS_ROWS = MAXT * TM
NEG = -1e30


def _f32(x):
    return x.astype(jnp.float32)


def _norm_qkv_body(x_ref, nw_ref, w_ref, cos_ref, sin_ref, q_ref, k_ref, v_ref):
    x = x_ref[...]
    h = x * lax.rsqrt(jnp.mean(x * x, axis=1, keepdims=True) + EPS) * nw_ref[...]
    mm = jnp.dot(h.astype(jnp.bfloat16), w_ref[...],
                 preferred_element_type=jnp.float32)
    cos = cos_ref[...]
    sin = sin_ref[...]
    half = HD // 2

    def rope(sl, scale=1.0):
        rot = jnp.concatenate([-sl[:, half:], sl[:, :half]], axis=1)
        return ((sl * cos + rot * sin) * scale).astype(jnp.bfloat16)

    for g in range(NH):
        q_ref[g, :, :] = rope(mm[:, g * HD:(g + 1) * HD], 1.0 / 8.0)
    for g in range(NKV):
        c0 = (NH + g) * HD
        k_ref[g, :, :] = rope(mm[:, c0:c0 + HD])
        c0 = (NH + NKV + g) * HD
        v_ref[g, :, :] = mm[:, c0:c0 + HD].astype(jnp.bfloat16)


def _norm_qkv(x, nw, wqkv, cos, sin):
    bm = 1024
    return pl.pallas_call(
        _norm_qkv_body,
        grid=(T // bm,),
        in_specs=[
            pl.BlockSpec((bm, H), lambda i: (i, 0)),
            pl.BlockSpec((1, H), lambda i: (0, 0)),
            pl.BlockSpec((H, QKV_N), lambda i: (0, 0)),
            pl.BlockSpec((bm, HD), lambda i: (i, 0)),
            pl.BlockSpec((bm, HD), lambda i: (i, 0)),
        ],
        out_specs=[
            pl.BlockSpec((NH, bm, HD), lambda i: (0, i, 0)),
            pl.BlockSpec((NKV, bm, HD), lambda i: (0, i, 0)),
            pl.BlockSpec((NKV, bm, HD), lambda i: (0, i, 0)),
        ],
        out_shape=[
            jax.ShapeDtypeStruct((NH, T, HD), jnp.bfloat16),
            jax.ShapeDtypeStruct((NKV, T, HD), jnp.bfloat16),
            jax.ShapeDtypeStruct((NKV, T, HD), jnp.bfloat16),
        ],
    )(x, nw, wqkv, cos, sin)


BQ = 512
NKV_T = WINDOW // BQ + 1
GH = NH // NKV
GM = GH * BQ


def _attn_body(q_ref, k_ref, v_ref, o_ref):
    qi = pl.program_id(1)
    q = q_ref[...].reshape(GM, HD)
    ri = lax.broadcasted_iota(jnp.int32, (GM, 1), 0)
    rr = lax.rem(ri, BQ)
    cc = lax.broadcasted_iota(jnp.int32, (1, BQ), 1)

    def step(s, carry):
        m, l, acc = carry
        kvt = qi - (NKV_T - 1) + s
        start = pl.multiple_of(jnp.maximum(kvt * BQ, 0), BQ)
        k = k_ref[0, pl.ds(start, BQ), :]
        v = v_ref[0, pl.ds(start, BQ), :]
        sc = lax.dot_general(q, k, (((1,), (1,)), ((), ())),
                             preferred_element_type=jnp.float32)
        cols = kvt * BQ + cc
        rows = qi * BQ + rr
        ok = (cols <= rows) & ((rows - cols) <= WINDOW) & (kvt >= 0)
        sc = jnp.where(ok, sc, NEG)
        mn = jnp.maximum(m, jnp.max(sc, axis=1, keepdims=True))
        p = jnp.where(ok, jnp.exp(sc - mn), 0.0)
        alpha = jnp.exp(m - mn)
        l2 = l * alpha + jnp.sum(p, axis=1, keepdims=True)
        acc2 = acc * alpha + jnp.dot(p.astype(jnp.bfloat16), v,
                                     preferred_element_type=jnp.float32)
        return mn, l2, acc2

    m0 = jnp.full((GM, 1), NEG, jnp.float32)
    l0 = jnp.zeros((GM, 1), jnp.float32)
    a0 = jnp.zeros((GM, HD), jnp.float32)
    m, l, acc = lax.fori_loop(0, NKV_T, step, (m0, l0, a0))
    o_ref[...] = (acc / l).reshape(GH, BQ, HD)


def _attention(q, k, v):
    return pl.pallas_call(
        _attn_body,
        grid=(NKV, T // BQ),
        in_specs=[
            pl.BlockSpec((GH, BQ, HD), lambda g, qi: (g, qi, 0)),
            pl.BlockSpec((1, T, HD), lambda g, qi: (g, 0, 0)),
            pl.BlockSpec((1, T, HD), lambda g, qi: (g, 0, 0)),
        ],
        out_specs=pl.BlockSpec((GH, BQ, HD), lambda g, qi: (g, qi, 0)),
        out_shape=jax.ShapeDtypeStruct((NH, T, HD), jnp.float32),
    )(q, k, v)


def _proj_body(o_ref, w_ref, x_ref, out_ref):
    o3 = o_ref[...]
    flat = jnp.concatenate([o3[g] for g in range(NH)], axis=1)
    out_ref[...] = x_ref[...] + jnp.dot(flat.astype(jnp.bfloat16), w_ref[...],
                                        preferred_element_type=jnp.float32)


def _proj_res(o, wo, x):
    bm = 512
    return pl.pallas_call(
        _proj_body,
        grid=(T // bm,),
        in_specs=[
            pl.BlockSpec((NH, bm, HD), lambda i: (0, i, 0)),
            pl.BlockSpec((NH * HD, H), lambda i: (0, 0)),
            pl.BlockSpec((bm, H), lambda i: (i, 0)),
        ],
        out_specs=pl.BlockSpec((bm, H), lambda i: (i, 0)),
        out_shape=jax.ShapeDtypeStruct((T, H), jnp.float32),
    )(o, wo, x)


LCH = 128


def _route_body(x_ref, nw_ref, wg_ref, xf_ref, pos_ref, wts_ref, se_ref,
                sv_ref, m_s, cs_s):
    x = x_ref[...]
    h = x * lax.rsqrt(jnp.mean(x * x, axis=1, keepdims=True) + EPS) * nw_ref[...]
    xf_ref[...] = h
    logits = jnp.dot(h, wg_ref[...], preferred_element_type=jnp.float32)
    lane = lax.broadcasted_iota(jnp.int32, (T, 128), 1)
    logits = jnp.where(lane < E, logits, NEG)
    m1 = jnp.max(logits, axis=1, keepdims=True)
    i1 = jnp.min(jnp.where(logits == m1, lane, 128), axis=1, keepdims=True)
    l2 = jnp.where(lane == i1, NEG, logits)
    m2 = jnp.max(l2, axis=1, keepdims=True)
    i2 = jnp.min(jnp.where(l2 == m2, lane, 128), axis=1, keepdims=True)
    w1 = 1.0 / (1.0 + jnp.exp(m2 - m1))
    w2 = 1.0 - w1
    wts_ref[pl.ds(0, T), :] = w1
    wts_ref[pl.ds(T, T), :] = w2

    m_s[pl.ds(0, T), :] = _f32(lane == i1)
    m_s[pl.ds(T, T), :] = _f32(lane == i2)

    counts = jnp.sum(m_s[...], axis=0, keepdims=True)
    pc = jnp.floor((counts + (TM - 1)) * (1.0 / TM)) * TM
    r128 = lax.broadcasted_iota(jnp.int32, (128, 128), 0)
    c128 = lax.broadcasted_iota(jnp.int32, (128, 128), 1)
    upper = _f32(r128 <= c128)
    cum = jnp.dot(pc, upper, preferred_element_type=jnp.float32)
    off = cum - pc

    lower = _f32(r128 >= c128)

    def chunk(ch, running):
        mc = m_s[pl.ds(ch * LCH, LCH), :]
        cs = jnp.dot(lower, mc, preferred_element_type=jnp.float32) + running
        cs_s[pl.ds(ch * LCH, LCH), :] = cs
        return running + jnp.sum(mc, axis=0, keepdims=True)

    lax.fori_loop(0, NA // LCH, chunk, jnp.zeros((1, 128), jnp.float32))

    mall = m_s[...]
    posf = jnp.sum(mall * (off + cs_s[...] - 1.0), axis=1, keepdims=True)
    pos_ref[...] = posf.astype(jnp.int32)

    li = lax.broadcasted_iota(jnp.int32, (1, 128), 1)
    te = jnp.zeros((1, 128), jnp.int32)
    for e in range(E):
        te = te + (_f32(li * TM) >= cum[0, e]).astype(jnp.int32)
    se_ref[...] = jnp.minimum(te, E - 1)
    sv_ref[...] = (_f32(li * TM) < cum[0, E - 1]).astype(jnp.int32)


def _route(x2, nw, wg_pad):
    return pl.pallas_call(
        _route_body,
        grid=(1,),
        in_specs=[
            pl.BlockSpec((T, H), lambda i: (0, 0)),
            pl.BlockSpec((1, H), lambda i: (0, 0)),
            pl.BlockSpec((H, 128), lambda i: (0, 0)),
        ],
        out_specs=[
            pl.BlockSpec((T, H), lambda i: (0, 0)),
            pl.BlockSpec((NA, 1), lambda i: (0, 0)),
            pl.BlockSpec((NA, 1), lambda i: (0, 0)),
            pl.BlockSpec((1, 128), lambda i: (0, 0)),
            pl.BlockSpec((1, 128), lambda i: (0, 0)),
        ],
        out_shape=[
            jax.ShapeDtypeStruct((T, H), jnp.float32),
            jax.ShapeDtypeStruct((NA, 1), jnp.int32),
            jax.ShapeDtypeStruct((NA, 1), jnp.float32),
            jax.ShapeDtypeStruct((1, 128), jnp.int32),
            jax.ShapeDtypeStruct((1, 128), jnp.int32),
        ],
        scratch_shapes=[
            pltpu.VMEM((NA, 128), jnp.float32),
            pltpu.VMEM((NA, 128), jnp.float32),
        ],
    )(x2, nw, wg_pad)


SC_CH = 64


def _sc_scatter_body(xf_hbm, pos_hbm, xs_hbm, rows_v, idx_v, sem):
    wid = lax.axis_index("s") * 2 + lax.axis_index("c")
    per_w = NA // 32
    for c in range(per_w // SC_CH):
        base = wid * per_w + c * SC_CH
        tbase = lax.rem(base, T)
        pltpu.sync_copy(xf_hbm.at[pl.ds(tbase, SC_CH), :], rows_v)
        pltpu.sync_copy(pos_hbm.at[pl.ds(base, SC_CH)], idx_v)
        pltpu.async_copy(rows_v, xs_hbm.at[idx_v], sem).wait()


def _sc_scatter(xf, pos):
    mesh = plsc.VectorSubcoreMesh(core_axis_name="c", subcore_axis_name="s")
    fn = functools.partial(
        pl.kernel,
        out_type=jax.ShapeDtypeStruct((XS_ROWS, H), jnp.float32),
        mesh=mesh,
        scratch_types=[
            pltpu.VMEM((SC_CH, H), jnp.float32),
            pltpu.VMEM((SC_CH,), jnp.int32),
            pltpu.SemaphoreType.DMA,
        ],
    )(_sc_scatter_body)
    return fn(xf, pos)


def _moe_body(se_ref, sv_ref, xs_ref, wg_ref, wu_ref, wd_ref, out_ref):
    i = pl.program_id(0)

    @pl.when(sv_ref[i] != 0)
    def _():
        xs = xs_ref[...].astype(jnp.bfloat16)
        g = jnp.dot(xs, wg_ref[0], preferred_element_type=jnp.float32)
        u = jnp.dot(xs, wu_ref[0], preferred_element_type=jnp.float32)
        act = g * (1.0 / (1.0 + jnp.exp(-g))) * u
        out_ref[...] = jnp.dot(act.astype(jnp.bfloat16), wd_ref[0],
                               preferred_element_type=jnp.float32)


def _moe(tile_e, tile_v, xs, we_gate, we_up, we_down):
    grid_spec = pltpu.PrefetchScalarGridSpec(
        num_scalar_prefetch=2,
        grid=(MAXT,),
        in_specs=[
            pl.BlockSpec((TM, H), lambda i, se, sv: (i, 0)),
            pl.BlockSpec((1, H, INTER), lambda i, se, sv: (se[i], 0, 0)),
            pl.BlockSpec((1, H, INTER), lambda i, se, sv: (se[i], 0, 0)),
            pl.BlockSpec((1, INTER, H), lambda i, se, sv: (se[i], 0, 0)),
        ],
        out_specs=pl.BlockSpec((TM, H), lambda i, se, sv: (i, 0)),
    )
    return pl.pallas_call(
        _moe_body,
        grid_spec=grid_spec,
        out_shape=jax.ShapeDtypeStruct((XS_ROWS, H), jnp.float32),
    )(tile_e, tile_v, xs, we_gate, we_up, we_down)


def _sc_gather_body(xso_hbm, pos_hbm, y0_hbm, y1_hbm, rows_v, idx_v, sem):
    wid = lax.axis_index("s") * 2 + lax.axis_index("c")
    per_w = T // 32
    base = wid * per_w
    pltpu.sync_copy(pos_hbm.at[pl.ds(base, per_w)], idx_v)
    pltpu.async_copy(xso_hbm.at[idx_v], rows_v, sem).wait()
    pltpu.sync_copy(rows_v, y0_hbm.at[pl.ds(base, per_w), :])
    pltpu.sync_copy(pos_hbm.at[pl.ds(T + base, per_w)], idx_v)
    pltpu.async_copy(xso_hbm.at[idx_v], rows_v, sem).wait()
    pltpu.sync_copy(rows_v, y1_hbm.at[pl.ds(base, per_w), :])


def _sc_gather(xs_out, pos):
    mesh = plsc.VectorSubcoreMesh(core_axis_name="c", subcore_axis_name="s")
    fn = functools.partial(
        pl.kernel,
        out_type=[
            jax.ShapeDtypeStruct((T, H), jnp.float32),
            jax.ShapeDtypeStruct((T, H), jnp.float32),
        ],
        mesh=mesh,
        scratch_types=[
            pltpu.VMEM((T // 32, H), jnp.float32),
            pltpu.VMEM((T // 32,), jnp.int32),
            pltpu.SemaphoreType.DMA,
        ],
    )(_sc_gather_body)
    return fn(xs_out, pos)


def _combine_body(x_ref, y0_ref, y1_ref, w0_ref, w1_ref, out_ref):
    out_ref[...] = (x_ref[...] + w0_ref[...] * y0_ref[...]
                    + w1_ref[...] * y1_ref[...])


def _combine(x2, y0, y1, w0, w1):
    bm = 512
    return pl.pallas_call(
        _combine_body,
        grid=(T // bm,),
        in_specs=[
            pl.BlockSpec((bm, H), lambda i: (i, 0)),
            pl.BlockSpec((bm, H), lambda i: (i, 0)),
            pl.BlockSpec((bm, H), lambda i: (i, 0)),
            pl.BlockSpec((bm, 1), lambda i: (i, 0)),
            pl.BlockSpec((bm, 1), lambda i: (i, 0)),
        ],
        out_specs=pl.BlockSpec((bm, H), lambda i: (i, 0)),
        out_shape=jax.ShapeDtypeStruct((T, H), jnp.float32),
    )(x2, y0, y1, w0, w1)


def kernel(x, attn_norm_w, moe_norm_w, Wq, Wk, Wv, Wo, Wgate, We_gate, We_up,
           We_down):
    xt = x.reshape(T, H)
    wqkv = jnp.concatenate([Wq, Wk, Wv], axis=1).astype(jnp.bfloat16)
    wo_bf = Wo.astype(jnp.bfloat16)
    weg_bf = We_gate.astype(jnp.bfloat16)
    weu_bf = We_up.astype(jnp.bfloat16)
    wed_bf = We_down.astype(jnp.bfloat16)
    inv_freq = 1.0 / (THETA ** (jnp.arange(0, HD, 2, dtype=jnp.float32) / HD))
    freqs = jnp.outer(jnp.arange(T, dtype=jnp.float32), inv_freq)
    emb = jnp.concatenate([freqs, freqs], axis=-1)
    cos = jnp.cos(emb)
    sin = jnp.sin(emb)

    q, k, v = _norm_qkv(xt, attn_norm_w.reshape(1, H), wqkv, cos, sin)
    o = _attention(q, k, v)
    x2 = _proj_res(o, wo_bf, xt)

    wg_pad = jnp.pad(Wgate, ((0, 0), (0, 128 - E)))
    xf, pos_c, wts_c, se, sv = _route(x2, moe_norm_w.reshape(1, H), wg_pad)
    pos = pos_c.reshape(NA)
    tile_e = se[0, :MAXT]
    tile_v = sv[0, :MAXT]

    xs = _sc_scatter(xf, pos)
    xs_out = _moe(tile_e, tile_v, xs, weg_bf, weu_bf, wed_bf)
    y0, y1 = _sc_gather(xs_out, pos)
    out = _combine(x2, y0, y1, wts_c[:T], wts_c[T:])
    return out.reshape(1, T, H)

# --- scband reference (transcript-rebuilt; emitter-appended) ---
"""Pipeline reference for scband-transformer-block-77472620085643 (READ-ONLY COPY).

The authoritative reference and input builder live on the scoring server;
editing this copy changes nothing except your own understanding.
"""

import jax, jax.numpy as jnp
import numpy as np

B, S, H = 1, 2048, 1024
NH, NKV, HD = 16, 4, 64
E, TOPK, INTER = 8, 2, 2048
WINDOW = 1024
THETA = 10000.0
EPS = 1e-5


def setup_inputs(seed: int = 0) -> dict:
    key = jax.random.key(seed)
    ks = jax.random.split(key, 12)
    s = 0.02
    return {
        "x": jax.random.normal(ks[0], (B, S, H), dtype=jnp.float32),
        "attn_norm_w": jnp.ones((H,), jnp.float32),
        "moe_norm_w": jnp.ones((H,), jnp.float32),
        "Wq": jax.random.normal(ks[1], (H, NH * HD), dtype=jnp.float32) * s,
        "Wk": jax.random.normal(ks[2], (H, NKV * HD), dtype=jnp.float32) * s,
        "Wv": jax.random.normal(ks[3], (H, NKV * HD), dtype=jnp.float32) * s,
        "Wo": jax.random.normal(ks[4], (NH * HD, H), dtype=jnp.float32) * s,
        "Wgate": jax.random.normal(ks[5], (H, E), dtype=jnp.float32) * s,
        "We_gate": jax.random.normal(ks[6], (E, H, INTER), dtype=jnp.float32) * s,
        "We_up": jax.random.normal(ks[7], (E, H, INTER), dtype=jnp.float32) * s,
        "We_down": jax.random.normal(ks[8], (E, INTER, H), dtype=jnp.float32) * s,
    }


def _rmsnorm(x, w):
    return x * jax.lax.rsqrt(jnp.mean(x * x, axis=-1, keepdims=True) + EPS) * w


def _rope(x, cos, sin):
    half = x.shape[-1] // 2
    x1, x2 = x[..., :half], x[..., half:]
    return x * cos + jnp.concatenate([-x2, x1], axis=-1) * sin


def _forward(x, attn_norm_w, moe_norm_w, Wq, Wk, Wv, Wo, Wgate, We_gate, We_up, We_down):
    h = _rmsnorm(x, attn_norm_w)
    q = (h @ Wq).reshape(B, S, NH, HD).transpose(0, 2, 1, 3)
    k = (h @ Wk).reshape(B, S, NKV, HD).transpose(0, 2, 1, 3)
    v = (h @ Wv).reshape(B, S, NKV, HD).transpose(0, 2, 1, 3)
    inv_freq = 1.0 / (THETA ** (jnp.arange(0, HD, 2, dtype=jnp.float32) / HD))
    t = jnp.arange(S, dtype=jnp.float32)
    freqs = jnp.outer(t, inv_freq)
    emb = jnp.concatenate([freqs, freqs], axis=-1)
    cos = jnp.cos(emb)[None, None]
    sin = jnp.sin(emb)[None, None]
    q = _rope(q, cos, sin)
    k = _rope(k, cos, sin)
    k = jnp.repeat(k, NH // NKV, axis=1)
    v = jnp.repeat(v, NH // NKV, axis=1)
    i = jnp.arange(S)[:, None]
    j = jnp.arange(S)[None, :]
    blocked = (j > i) | ((i - j) > WINDOW)
    bias = jnp.where(blocked, -jnp.inf, 0.0).astype(jnp.float32)
    scores = jnp.einsum('bhqd,bhkd->bhqk', q, k) / jnp.sqrt(float(HD)) + bias
    attn = jax.nn.softmax(scores, axis=-1)
    o = jnp.einsum('bhqk,bhkd->bhqd', attn, v)
    o = o.transpose(0, 2, 1, 3).reshape(B, S, NH * HD)
    x = x + o @ Wo
    h2 = _rmsnorm(x, moe_norm_w)
    xf = h2.reshape(-1, H)
    probs = jax.nn.softmax((xf @ Wgate).astype(jnp.float32), axis=-1)
    top_w, top_i = jax.lax.top_k(probs, TOPK)
    top_w = top_w / jnp.sum(top_w, axis=-1, keepdims=True)
    w_et = jnp.sum(jnp.where(top_i[None, :, :] == jnp.arange(E)[:, None, None], top_w[None, :, :], 0.0), axis=-1)
    g = jnp.einsum('td,edh->eth', xf, We_gate)
    u = jnp.einsum('td,edh->eth', xf, We_up)
    eo = jnp.einsum('eth,ehd->etd', jax.nn.silu(g) * u, We_down)
    moe = jnp.einsum('et,etd->td', w_et.astype(xf.dtype), eo)
    return x + moe.reshape(B, S, H)


def reference(x, attn_norm_w, moe_norm_w, Wq, Wk, Wv, Wo, Wgate, We_gate, We_up, We_down):
    return _forward(x, attn_norm_w, moe_norm_w, Wq, Wk, Wv, Wo, Wgate, We_gate, We_up, We_down)

if __name__ == "__main__":
    import jax
    _d = setup_inputs()
    print(jax.jit(kernel)(*tuple(_d.values())))

</pallas_src>

<mosaic_0001>
#map = affine_map<(d0, d1) -> (0, 0)>
#map1 = affine_map<(d0, d1) -> (0)>
module attributes {stable_mosaic.version = 14 : i64} {
  func.func @_sc_gather_body(%arg0: i32, %arg1: i32, %arg2: memref<6144x1024xf32, #tpu.memory_space<hbm>>, %arg3: memref<4096xi32, #tpu.memory_space<hbm>>, %arg4: memref<2048x1024xf32, #tpu.memory_space<hbm>>, %arg5: memref<2048x1024xf32, #tpu.memory_space<hbm>>, %arg6: memref<64x1024xf32, #tpu.memory_space<vmem>>, %arg7: memref<64xi32, #tpu.memory_space<vmem>>, %arg8: memref<!tpu.dma_semaphore, #tpu.memory_space<semaphore_mem>>) attributes {dimension_semantics = [#tpu.dimension_semantics<core_parallel>, #tpu.dimension_semantics<subcore_parallel>], iteration_bounds = array<i64: 2, 16>, scalar_prefetch = 0 : i64, scratch_operands = 3 : i64, tpu.core_type = #tpu.core_type<sc_vector_subcore>, window_params = [{transform_indices = #map}, {transform_indices = #map1}, {transform_indices = #map}, {transform_indices = #map}]} {
    %mul3A = arith.constant 2 : i32
    %mul3A_0 = arith.muli %arg1, %mul3A : i32
    %add3A = arith.addi %mul3A_0, %arg0 : i32
    %mul3A_1 = arith.constant 64 : i32
    %mul3A_2 = arith.muli %add3A, %mul3A_1 : i32
    "tpu.region"() ({
      %run_scoped3A = tpu.sem_alloc : memref<!tpu.dma_semaphore, #tpu.memory_space<semaphore_mem>>
      %dma_start3A_15 = tpu.memref_slice %arg3[%mul3A_2] : memref<4096xi32, #tpu.memory_space<hbm>> -> memref<64xi32, #tpu.memory_space<hbm>>
      %dma_start3A_16 = tpu.memref_slice %arg3[%mul3A_2] : memref<4096xi32, #tpu.memory_space<hbm>> -> memref<64xi32, #tpu.memory_space<hbm>>
      tpu.enqueue_dma source(%dma_start3A_16 : memref<64xi32, #tpu.memory_space<hbm>>) target(%arg7 : memref<64xi32, #tpu.memory_space<vmem>>) target_semaphore(%run_scoped3A : memref<!tpu.dma_semaphore, #tpu.memory_space<semaphore_mem>>)
      %dma_wait3A_17 = tpu.memref_slice %arg3[%mul3A_2] : memref<4096xi32, #tpu.memory_space<hbm>> -> memref<64xi32, #tpu.memory_space<hbm>>
      %dma_wait3A_18 = tpu.memref_slice %arg3[%mul3A_2] : memref<4096xi32, #tpu.memory_space<hbm>> -> memref<64xi32, #tpu.memory_space<hbm>>
      tpu.wait_dma2 semaphore(%run_scoped3A : memref<!tpu.dma_semaphore, #tpu.memory_space<semaphore_mem>>) src(%dma_wait3A_18 : memref<64xi32, #tpu.memory_space<hbm>>) dst(%arg7 : memref<64xi32, #tpu.memory_space<vmem>>)
      tpu.yield
    }) : () -> ()
    %dma_start3A = arith.constant 0 : i32
    %dma_start3A_3 = arith.constant 0 : i32
    %dma_start3A_4 = tpu.memref_slice %arg2[%dma_start3A, %dma_start3A_3] : memref<6144x1024xf32, #tpu.memory_space<hbm>> -> memref<6144x1024xf32, #tpu.memory_space<hbm>>
    tpu.enqueue_indirect_dma source(%dma_start3A_4 : memref<6144x1024xf32, #tpu.memory_space<hbm>>) target(%arg6 : memref<64x1024xf32, #tpu.memory_space<vmem>>) offsets(%arg7 : memref<64xi32, #tpu.memory_space<vmem>>) semaphore(%arg8 : memref<!tpu.dma_semaphore, #tpu.memory_space<semaphore_mem>>)
    %dma_wait3A = arith.constant 0 : i32
    %dma_wait3A_5 = arith.constant 0 : i32
    %dma_wait3A_6 = tpu.memref_slice %arg2[%dma_wait3A, %dma_wait3A_5] : memref<6144x1024xf32, #tpu.memory_space<hbm>> -> memref<6144x1024xf32, #tpu.memory_space<hbm>>
    tpu.wait_indirect_dma semaphore(%arg8 : memref<!tpu.dma_semaphore, #tpu.memory_space<semaphore_mem>>) src(%dma_wait3A_6 : memref<6144x1024xf32, #tpu.memory_space<hbm>>) dst(%arg6 : memref<64x1024xf32, #tpu.memory_space<vmem>>)
    "tpu.region"() ({
      %run_scoped3A = tpu.sem_alloc : memref<!tpu.dma_semaphore, #tpu.memory_space<semaphore_mem>>
      %dma_start3A_15 = arith.constant 0 : i32
      %dma_start3A_16 = tpu.memref_slice %arg4[%mul3A_2, %dma_start3A_15] : memref<2048x1024xf32, #tpu.memory_space<hbm>> -> memref<64x1024xf32, #tpu.memory_space<hbm>>
      %dma_start3A_17 = arith.constant 0 : i32
      %dma_start3A_18 = tpu.memref_slice %arg4[%mul3A_2, %dma_start3A_17] : memref<2048x1024xf32, #tpu.memory_space<hbm>> -> memref<64x1024xf32, #tpu.memory_space<hbm>>
      tpu.enqueue_dma source(%arg6 : memref<64x1024xf32, #tpu.memory_space<vmem>>) target(%dma_start3A_18 : memref<64x1024xf32, #tpu.memory_space<hbm>>) target_semaphore(%run_scoped3A : memref<!tpu.dma_semaphore, #tpu.memory_space<semaphore_mem>>)
      %dma_wait3A_19 = arith.constant 0 : i32
      %dma_wait3A_20 = tpu.memref_slice %arg4[%mul3A_2, %dma_wait3A_19] : memref<2048x1024xf32, #tpu.memory_space<hbm>> -> memref<64x1024xf32, #tpu.memory_space<hbm>>
      %dma_wait3A_21 = arith.constant 0 : i32
      %dma_wait3A_22 = tpu.memref_slice %arg4[%mul3A_2, %dma_wait3A_21] : memref<2048x1024xf32, #tpu.memory_space<hbm>> -> memref<64x1024xf32, #tpu.memory_space<hbm>>
      tpu.wait_dma2 semaphore(%run_scoped3A : memref<!tpu.dma_semaphore, #tpu.memory_space<semaphore_mem>>) src(%arg6 : memref<64x1024xf32, #tpu.memory_space<vmem>>) dst(%dma_wait3A_22 : memref<64x1024xf32, #tpu.memory_space<hbm>>)
      tpu.yield
    }) : () -> ()
    %add3A_7 = arith.constant 2048 : i32
    %add3A_8 = arith.addi %add3A_7, %mul3A_2 : i32
    "tpu.region"() ({
      %run_scoped3A = tpu.sem_alloc : memref<!tpu.dma_semaphore, #tpu.memory_space<semaphore_mem>>
      %dma_start3A_15 = tpu.memref_slice %arg3[%add3A_8] : memref<4096xi32, #tpu.memory_space<hbm>> -> memref<64xi32, #tpu.memory_space<hbm>>
      %dma_start3A_16 = tpu.memref_slice %arg3[%add3A_8] : memref<4096xi32, #tpu.memory_space<hbm>> -> memref<64xi32, #tpu.memory_space<hbm>>
      tpu.enqueue_dma source(%dma_start3A_16 : memref<64xi32, #tpu.memory_space<hbm>>) target(%arg7 : memref<64xi32, #tpu.memory_space<vmem>>) target_semaphore(%run_scoped3A : memref<!tpu.dma_semaphore, #tpu.memory_space<semaphore_mem>>)
      %dma_wait3A_17 = tpu.memref_slice %arg3[%add3A_8] : memref<4096xi32, #tpu.memory_space<hbm>> -> memref<64xi32, #tpu.memory_space<hbm>>
      %dma_wait3A_18 = tpu.memref_slice %arg3[%add3A_8] : memref<4096xi32, #tpu.memory_space<hbm>> -> memref<64xi32, #tpu.memory_space<hbm>>
      tpu.wait_dma2 semaphore(%run_scoped3A : memref<!tpu.dma_semaphore, #tpu.memory_space<semaphore_mem>>) src(%dma_wait3A_18 : memref<64xi32, #tpu.memory_space<hbm>>) dst(%arg7 : memref<64xi32, #tpu.memory_space<vmem>>)
      tpu.yield
    }) : () -> ()
    %dma_start3A_9 = arith.constant 0 : i32
    %dma_start3A_10 = arith.constant 0 : i32
    %dma_start3A_11 = tpu.memref_slice %arg2[%dma_start3A_9, %dma_start3A_10] : memref<6144x1024xf32, #tpu.memory_space<hbm>> -> memref<6144x1024xf32, #tpu.memory_space<hbm>>
    tpu.enqueue_indirect_dma source(%dma_start3A_11 : memref<6144x1024xf32, #tpu.memory_space<hbm>>) target(%arg6 : memref<64x1024xf32, #tpu.memory_space<vmem>>) offsets(%arg7 : memref<64xi32, #tpu.memory_space<vmem>>) semaphore(%arg8 : memref<!tpu.dma_semaphore, #tpu.memory_space<semaphore_mem>>)
    %dma_wait3A_12 = arith.constant 0 : i32
    %dma_wait3A_13 = arith.constant 0 : i32
    %dma_wait3A_14 = tpu.memref_slice %arg2[%dma_wait3A_12, %dma_wait3A_13] : memref<6144x1024xf32, #tpu.memory_space<hbm>> -> memref<6144x1024xf32, #tpu.memory_space<hbm>>
    tpu.wait_indirect_dma semaphore(%arg8 : memref<!tpu.dma_semaphore, #tpu.memory_space<semaphore_mem>>) src(%dma_wait3A_14 : memref<6144x1024xf32, #tpu.memory_space<hbm>>) dst(%arg6 : memref<64x1024xf32, #tpu.memory_space<vmem>>)
    "tpu.region"() ({
      %run_scoped3A = tpu.sem_alloc : memref<!tpu.dma_semaphore, #tpu.memory_space<semaphore_mem>>
      %dma_start3A_15 = arith.constant 0 : i32
      %dma_start3A_16 = tpu.memref_slice %arg5[%mul3A_2, %dma_start3A_15] : memref<2048x1024xf32, #tpu.memory_space<hbm>> -> memref<64x1024xf32, #tpu.memory_space<hbm>>
      %dma_start3A_17 = arith.constant 0 : i32
      %dma_start3A_18 = tpu.memref_slice %arg5[%mul3A_2, %dma_start3A_17] : memref<2048x1024xf32, #tpu.memory_space<hbm>> -> memref<64x1024xf32, #tpu.memory_space<hbm>>
      tpu.enqueue_dma source(%arg6 : memref<64x1024xf32, #tpu.memory_space<vmem>>) target(%dma_start3A_18 : memref<64x1024xf32, #tpu.memory_space<hbm>>) target_semaphore(%run_scoped3A : memref<!tpu.dma_semaphore, #tpu.memory_space<semaphore_mem>>)
      %dma_wait3A_19 = arith.constant 0 : i32
      %dma_wait3A_20 = tpu.memref_slice %arg5[%mul3A_2, %dma_wait3A_19] : memref<2048x1024xf32, #tpu.memory_space<hbm>> -> memref<64x1024xf32, #tpu.memory_space<hbm>>
      %dma_wait3A_21 = arith.constant 0 : i32
      %dma_wait3A_22 = tpu.memref_slice %arg5[%mul3A_2, %dma_wait3A_21] : memref<2048x1024xf32, #tpu.memory_space<hbm>> -> memref<64x1024xf32, #tpu.memory_space<hbm>>
      tpu.wait_dma2 semaphore(%run_scoped3A : memref<!tpu.dma_semaphore, #tpu.memory_space<semaphore_mem>>) src(%arg6 : memref<64x1024xf32, #tpu.memory_space<vmem>>) dst(%dma_wait3A_22 : memref<64x1024xf32, #tpu.memory_space<hbm>>)
      tpu.yield
    }) : () -> ()
    return
  }
}

#map = affine_map<(d0, d1) -> (0, 0)>
#map1 = affine_map<(d0, d1) -> (0)>
module attributes {stable_mosaic.version = 14 : i64} {
  func.func @_sc_scatter_body(%arg0: i32, %arg1: i32, %arg2: memref<2048x1024xf32, #tpu.memory_space<hbm>>, %arg3: memref<4096xi32, #tpu.memory_space<hbm>>, %arg4: memref<6144x1024xf32, #tpu.memory_space<hbm>>, %arg5: memref<64x1024xf32, #tpu.memory_space<vmem>>, %arg6: memref<64xi32, #tpu.memory_space<vmem>>, %arg7: memref<!tpu.dma_semaphore, #tpu.memory_space<semaphore_mem>>) attributes {dimension_semantics = [#tpu.dimension_semantics<core_parallel>, #tpu.dimension_semantics<subcore_parallel>], iteration_bounds = array<i64: 2, 16>, scalar_prefetch = 0 : i64, scratch_operands = 3 : i64, tpu.core_type = #tpu.core_type<sc_vector_subcore>, window_params = [{transform_indices = #map}, {transform_indices = #map1}, {transform_indices = #map}]} {
    %mul3A = arith.constant 2 : i32
    %mul3A_0 = arith.muli %arg1, %mul3A : i32
    %add3A = arith.addi %mul3A_0, %arg0 : i32
    %mul3A_1 = arith.constant 128 : i32
    %mul3A_2 = arith.muli %add3A, %mul3A_1 : i32
    %add3A_3 = arith.constant 0 : i32
    %add3A_4 = arith.addi %mul3A_2, %add3A_3 : i32
    %rem3A = arith.constant 2048 : i32
    %rem3A_5 = arith.remsi %add3A_4, %rem3A : i32
    "tpu.region"() ({
      %run_scoped3A = tpu.sem_alloc : memref<!tpu.dma_semaphore, #tpu.memory_space<semaphore_mem>>
      %dma_start3A_22 = arith.constant 0 : i32
      %dma_start3A_23 = tpu.memref_slice %arg2[%rem3A_5, %dma_start3A_22] : memref<2048x1024xf32, #tpu.memory_space<hbm>> -> memref<64x1024xf32, #tpu.memory_space<hbm>>
      %dma_start3A_24 = arith.constant 0 : i32
      %dma_start3A_25 = tpu.memref_slice %arg2[%rem3A_5, %dma_start3A_24] : memref<2048x1024xf32, #tpu.memory_space<hbm>> -> memref<64x1024xf32, #tpu.memory_space<hbm>>
      tpu.enqueue_dma source(%dma_start3A_25 : memref<64x1024xf32, #tpu.memory_space<hbm>>) target(%arg5 : memref<64x1024xf32, #tpu.memory_space<vmem>>) target_semaphore(%run_scoped3A : memref<!tpu.dma_semaphore, #tpu.memory_space<semaphore_mem>>)
      %dma_wait3A_26 = arith.constant 0 : i32
      %dma_wait3A_27 = tpu.memref_slice %arg2[%rem3A_5, %dma_wait3A_26] : memref<2048x1024xf32, #tpu.memory_space<hbm>> -> memref<64x1024xf32, #tpu.memory_space<hbm>>
      %dma_wait3A_28 = arith.constant 0 : i32
      %dma_wait3A_29 = tpu.memref_slice %arg2[%rem3A_5, %dma_wait3A_28] : memref<2048x1024xf32, #tpu.memory_space<hbm>> -> memref<64x1024xf32, #tpu.memory_space<hbm>>
      tpu.wait_dma2 semaphore(%run_scoped3A : memref<!tpu.dma_semaphore, #tpu.memory_space<semaphore_mem>>) src(%dma_wait3A_29 : memref<64x1024xf32, #tpu.memory_space<hbm>>) dst(%arg5 : memref<64x1024xf32, #tpu.memory_space<vmem>>)
      tpu.yield
    }) : () -> ()
    "tpu.region"() ({
      %run_scoped3A = tpu.sem_alloc : memref<!tpu.dma_semaphore, #tpu.memory_space<semaphore_mem>>
      %dma_start3A_22 = tpu.memref_slice %arg3[%add3A_4] : memref<4096xi32, #tpu.memory_space<hbm>> -> memref<64xi32, #tpu.memory_space<hbm>>
      %dma_start3A_23 = tpu.memref_slice %arg3[%add3A_4] : memref<4096xi32, #tpu.memory_space<hbm>> -> memref<64xi32, #tpu.memory_space<hbm>>
      tpu.enqueue_dma source(%dma_start3A_23 : memref<64xi32, #tpu.memory_space<hbm>>) target(%arg6 : memref<64xi32, #tpu.memory_space<vmem>>) target_semaphore(%run_scoped3A : memref<!tpu.dma_semaphore, #tpu.memory_space<semaphore_mem>>)
      %dma_wait3A_24 = tpu.memref_slice %arg3[%add3A_4] : memref<4096xi32, #tpu.memory_space<hbm>> -> memref<64xi32, #tpu.memory_space<hbm>>
      %dma_wait3A_25 = tpu.memref_slice %arg3[%add3A_4] : memref<4096xi32, #tpu.memory_space<hbm>> -> memref<64xi32, #tpu.memory_space<hbm>>
      tpu.wait_dma2 semaphore(%run_scoped3A : memref<!tpu.dma_semaphore, #tpu.memory_space<semaphore_mem>>) src(%dma_wait3A_25 : memref<64xi32, #tpu.memory_space<hbm>>) dst(%arg6 : memref<64xi32, #tpu.memory_space<vmem>>)
      tpu.yield
    }) : () -> ()
    %dma_start3A = arith.constant 0 : i32
    %dma_start3A_6 = arith.constant 0 : i32
    %dma_start3A_7 = tpu.memref_slice %arg4[%dma_start3A, %dma_start3A_6] : memref<6144x1024xf32, #tpu.memory_space<hbm>> -> memref<6144x1024xf32, #tpu.memory_space<hbm>>
    tpu.enqueue_indirect_dma source(%arg5 : memref<64x1024xf32, #tpu.memory_space<vmem>>) target(%dma_start3A_7 : memref<6144x1024xf32, #tpu.memory_space<hbm>>) offsets(%arg6 : memref<64xi32, #tpu.memory_space<vmem>>) semaphore(%arg7 : memref<!tpu.dma_semaphore, #tpu.memory_space<semaphore_mem>>)
    %dma_wait3A = arith.constant 0 : i32
    %dma_wait3A_8 = arith.constant 0 : i32
    %dma_wait3A_9 = tpu.memref_slice %arg4[%dma_wait3A, %dma_wait3A_8] : memref<6144x1024xf32, #tpu.memory_space<hbm>> -> memref<6144x1024xf32, #tpu.memory_space<hbm>>
    tpu.wait_indirect_dma semaphore(%arg7 : memref<!tpu.dma_semaphore, #tpu.memory_space<semaphore_mem>>) src(%arg5 : memref<64x1024xf32, #tpu.memory_space<vmem>>) dst(%dma_wait3A_9 : memref<6144x1024xf32, #tpu.memory_space<hbm>>)
    %mul3A_10 = arith.constant 128 : i32
    %mul3A_11 = arith.muli %add3A, %mul3A_10 : i32
    %add3A_12 = arith.constant 64 : i32
    %add3A_13 = arith.addi %mul3A_11, %add3A_12 : i32
    %rem3A_14 = arith.constant 2048 : i32
    %rem3A_15 = arith.remsi %add3A_13, %rem3A_14 : i32
    "tpu.region"() ({
      %run_scoped3A = tpu.sem_alloc : memref<!tpu.dma_semaphore, #tpu.memory_space<semaphore_mem>>
      %dma_start3A_22 = arith.constant 0 : i32
      %dma_start3A_23 = tpu.memref_slice %arg2[%rem3A_15, %dma_start3A_22] : memref<2048x1024xf32, #tpu.memory_space<hbm>> -> memref<64x1024xf32, #tpu.memory_space<hbm>>
      %dma_start3A_24 = arith.constant 0 : i32
      %dma_start3A_25 = tpu.memref_slice %arg2[%rem3A_15, %dma_start3A_24] : memref<2048x1024xf32, #tpu.memory_space<hbm>> -> memref<64x1024xf32, #tpu.memory_space<hbm>>
      tpu.enqueue_dma source(%dma_start3A_25 : memref<64x1024xf32, #tpu.memory_space<hbm>>) target(%arg5 : memref<64x1024xf32, #tpu.memory_space<vmem>>) target_semaphore(%run_scoped3A : memref<!tpu.dma_semaphore, #tpu.memory_space<semaphore_mem>>)
      %dma_wait3A_26 = arith.constant 0 : i32
      %dma_wait3A_27 = tpu.memref_slice %arg2[%rem3A_15, %dma_wait3A_26] : memref<2048x1024xf32, #tpu.memory_space<hbm>> -> memref<64x1024xf32, #tpu.memory_space<hbm>>
      %dma_wait3A_28 = arith.constant 0 : i32
      %dma_wait3A_29 = tpu.memref_slice %arg2[%rem3A_15, %dma_wait3A_28] : memref<2048x1024xf32, #tpu.memory_space<hbm>> -> memref<64x1024xf32, #tpu.memory_space<hbm>>
      tpu.wait_dma2 semaphore(%run_scoped3A : memref<!tpu.dma_semaphore, #tpu.memory_space<semaphore_mem>>) src(%dma_wait3A_29 : memref<64x1024xf32, #tpu.memory_space<hbm>>) dst(%arg5 : memref<64x1024xf32, #tpu.memory_space<vmem>>)
      tpu.yield
    }) : () -> ()
    "tpu.region"() ({
      %run_scoped3A = tpu.sem_alloc : memref<!tpu.dma_semaphore, #tpu.memory_space<semaphore_mem>>
      %dma_start3A_22 = tpu.memref_slice %arg3[%add3A_13] : memref<4096xi32, #tpu.memory_space<hbm>> -> memref<64xi32, #tpu.memory_space<hbm>>
      %dma_start3A_23 = tpu.memref_slice %arg3[%add3A_13] : memref<4096xi32, #tpu.memory_space<hbm>> -> memref<64xi32, #tpu.memory_space<hbm>>
      tpu.enqueue_dma source(%dma_start3A_23 : memref<64xi32, #tpu.memory_space<hbm>>) target(%arg6 : memref<64xi32, #tpu.memory_space<vmem>>) target_semaphore(%run_scoped3A : memref<!tpu.dma_semaphore, #tpu.memory_space<semaphore_mem>>)
      %dma_wait3A_24 = tpu.memref_slice %arg3[%add3A_13] : memref<4096xi32, #tpu.memory_space<hbm>> -> memref<64xi32, #tpu.memory_space<hbm>>
      %dma_wait3A_25 = tpu.memref_slice %arg3[%add3A_13] : memref<4096xi32, #tpu.memory_space<hbm>> -> memref<64xi32, #tpu.memory_space<hbm>>
      tpu.wait_dma2 semaphore(%run_scoped3A : memref<!tpu.dma_semaphore, #tpu.memory_space<semaphore_mem>>) src(%dma_wait3A_25 : memref<64xi32, #tpu.memory_space<hbm>>) dst(%arg6 : memref<64xi32, #tpu.memory_space<vmem>>)
      tpu.yield
    }) : () -> ()
    %dma_start3A_16 = arith.constant 0 : i32
    %dma_start3A_17 = arith.constant 0 : i32
    %dma_start3A_18 = tpu.memref_slice %arg4[%dma_start3A_16, %dma_start3A_17] : memref<6144x1024xf32, #tpu.memory_space<hbm>> -> memref<6144x1024xf32, #tpu.memory_space<hbm>>
    tpu.enqueue_indirect_dma source(%arg5 : memref<64x1024xf32, #tpu.memory_space<vmem>>) target(%dma_start3A_18 : memref<6144x1024xf32, #tpu.memory_space<hbm>>) offsets(%arg6 : memref<64xi32, #tpu.memory_space<vmem>>) semaphore(%arg7 : memref<!tpu.dma_semaphore, #tpu.memory_space<semaphore_mem>>)
    %dma_wait3A_19 = arith.constant 0 : i32
    %dma_wait3A_20 = arith.constant 0 : i32
    %dma_wait3A_21 = tpu.memref_slice %arg4[%dma_wait3A_19, %dma_wait3A_20] : memref<6144x1024xf32, #tpu.memory_space<hbm>> -> memref<6144x1024xf32, #tpu.memory_space<hbm>>
    tpu.wait_indirect_dma semaphore(%arg7 : memref<!tpu.dma_semaphore, #tpu.memory_space<semaphore_mem>>) src(%arg5 : memref<64x1024xf32, #tpu.memory_space<vmem>>) dst(%dma_wait3A_21 : memref<6144x1024xf32, #tpu.memory_space<hbm>>)
    return
  }
}

module attributes {stable_mosaic.version = 14 : i64} {
  func.func @_norm_qkv_body(%arg0: i32, %arg1: memref<1024x1024xf32, #tpu.memory_space<vmem>>, %arg2: memref<1x1024xf32, #tpu.memory_space<vmem>>, %arg3: memref<1024x1536xbf16, #tpu.memory_space<vmem>>, %arg4: memref<1024x64xf32, #tpu.memory_space<vmem>>, %arg5: memref<1024x64xf32, #tpu.memory_space<vmem>>, %arg6: memref<16x1024x64xbf16, #tpu.memory_space<vmem>>, %arg7: memref<4x1024x64xbf16, #tpu.memory_space<vmem>>, %arg8: memref<4x1024x64xbf16, #tpu.memory_space<vmem>>) attributes {dimension_semantics = [#tpu.dimension_semantics<arbitrary>], iteration_bounds = array<i64: 2>, scalar_prefetch = 0 : i64, scratch_operands = 0 : i64, tpu.core_type = #tpu.core_type<tc>, window_params = [{transform_indices = @transform_0, window_bounds = array<i64: 1024, 1024>}, {pipeline_mode = #tpu.pipeline_mode<synchronous>, transform_indices = @transform_1, window_bounds = array<i64: 1, 1024>}, {pipeline_mode = #tpu.pipeline_mode<synchronous>, transform_indices = @transform_2, window_bounds = array<i64: 1024, 1536>}, {transform_indices = @transform_3, window_bounds = array<i64: 1024, 64>}, {transform_indices = @transform_4, window_bounds = array<i64: 1024, 64>}, {transform_indices = @transform_5, window_bounds = array<i64: 16, 1024, 64>}, {transform_indices = @transform_6, window_bounds = array<i64: 4, 1024, 64>}, {transform_indices = @transform_7, window_bounds = array<i64: 4, 1024, 64>}]} {
    %get3A = arith.constant 0 : index
    %get3A_0 = arith.constant 0 : index
    %get3A_1 = vector.load %arg1[%get3A, %get3A_0] : memref<1024x1024xf32, #tpu.memory_space<vmem>>, vector<1024x1024xf32>
    %mul3A = arith.mulf %get3A_1, %get3A_1 : vector<1024x1024xf32>
    %reduce_sum3A = arith.constant dense<0.000000e+00> : vector<1024xf32>
    %reduce_sum3A_2 = vector.multi_reduction <add>, %mul3A, %reduce_sum3A [1] : vector<1024x1024xf32> to vector<1024xf32>
    %broadcast_in_dim3A = vector.shape_cast %reduce_sum3A_2 : vector<1024xf32> to vector<1024x1xf32>
    %div3A = arith.constant 1.024000e+03 : f32
    %div3A_3 = vector.broadcast %div3A : f32 to vector<1024x1xf32>
    %div3A_4 = arith.divf %broadcast_in_dim3A, %div3A_3 : vector<1024x1xf32>
    %add3A = arith.constant 9.99999974E-6 : f32
    %add3A_5 = vector.broadcast %add3A : f32 to vector<1024x1xf32>
    %add3A_6 = arith.addf %div3A_4, %add3A_5 : vector<1024x1xf32>
    %rsqrt3A = math.rsqrt %add3A_6 : vector<1024x1xf32>
    %mul3A_7 = vector.broadcast %rsqrt3A : vector<1024x1xf32> to vector<1024x1024xf32>
    %mul3A_8 = arith.mulf %get3A_1, %mul3A_7 : vector<1024x1024xf32>
    %get3A_9 = arith.constant 0 : index
    %get3A_10 = arith.constant 0 : index
    %get3A_11 = vector.load %arg2[%get3A_9, %get3A_10] : memref<1x1024xf32, #tpu.memory_space<vmem>>, vector<1x1024xf32>
    %mul3A_12 = vector.broadcast %get3A_11 : vector<1x1024xf32> to vector<1024x1024xf32>
    %mul3A_13 = arith.mulf %mul3A_8, %mul3A_12 : vector<1024x1024xf32>
    %convert_element_type3A = arith.truncf %mul3A_13 : vector<1024x1024xf32> to vector<1024x1024xbf16>
    %get3A_14 = arith.constant 0 : index
    %get3A_15 = arith.constant 0 : index
    %get3A_16 = vector.load %arg3[%get3A_14, %get3A_15] : memref<1024x1536xbf16, #tpu.memory_space<vmem>>, vector<1024x1536xbf16>
    %dot_general3A = arith.constant dense<0.000000e+00> : vector<1024x1536xf32>
    %dot_general3A_17 = tpu.matmul %convert_element_type3A, %get3A_16, %dot_general3A {dimension_numbers = #tpu.dot_dimension_numbers<[1], [0], [0], [1], [0, 0, 1, 1], [], []>, transpose_lhs_hint = false} : vector<1024x1024xbf16>, vector<1024x1536xbf16>, vector<1024x1536xf32> -> vector<1024x1536xf32>
    %get3A_18 = arith.constant 0 : index
    %get3A_19 = arith.constant 0 : index
    %get3A_20 = vector.load %arg4[%get3A_18, %get3A_19] : memref<1024x64xf32, #tpu.memory_space<vmem>>, vector<1024x64xf32>
    %get3A_21 = arith.constant 0 : index
    %get3A_22 = arith.constant 0 : index
    %get3A_23 = vector.load %arg5[%get3A_21, %get3A_22] : memref<1024x64xf32, #tpu.memory_space<vmem>>, vector<1024x64xf32>
    %slice3A = vector.extract_strided_slice %dot_general3A_17 {offsets = [0, 0], sizes = [1024, 64], strides = [1, 1]} : vector<1024x1536xf32> to vector<1024x64xf32>
    %slice3A_24 = vector.extract_strided_slice %slice3A {offsets = [0, 32], sizes = [1024, 32], strides = [1, 1]} : vector<1024x64xf32> to vector<1024x32xf32>
    %neg3A = arith.constant 0.000000e+00 : f32
    %neg3A_25 = vector.broadcast %neg3A : f32 to vector<1024x32xf32>
    %neg3A_26 = arith.subf %neg3A_25, %slice3A_24 : vector<1024x32xf32>
    %slice3A_27 = vector.extract_strided_slice %slice3A {offsets = [0, 0], sizes = [1024, 32], strides = [1, 1]} : vector<1024x64xf32> to vector<1024x32xf32>
    %concatenate3A = tpu.concatenate %neg3A_26, %slice3A_27 in 1 : vector<1024x32xf32>, vector<1024x32xf32> -> vector<1024x64xf32>
    %mul3A_28 = arith.mulf %slice3A, %get3A_20 : vector<1024x64xf32>
    %mul3A_29 = arith.mulf %concatenate3A, %get3A_23 : vector<1024x64xf32>
    %add3A_30 = arith.addf %mul3A_28, %mul3A_29 : vector<1024x64xf32>
    %mul3A_31 = arith.constant 1.250000e-01 : f32
    %mul3A_32 = vector.broadcast %mul3A_31 : f32 to vector<1024x64xf32>
    %mul3A_33 = arith.mulf %add3A_30, %mul3A_32 : vector<1024x64xf32>
    %convert_element_type3A_34 = arith.truncf %mul3A_33 : vector<1024x64xf32> to vector<1024x64xbf16>
    %swap3A = arith.constant 0 : index
    %swap3A_35 = arith.constant 0 : index
    %swap3A_36 = arith.constant 0 : index
    %swap3A_37 = vector.load %arg6[%swap3A, %swap3A_35, %swap3A_36] : memref<16x1024x64xbf16, #tpu.memory_space<vmem>>, vector<1x1024x64xbf16>
    %swap3A_38 = vector.shape_cast %swap3A_37 : vector<1x1024x64xbf16> to vector<1024x64xbf16>
    %swap3A_39 = vector.shape_cast %convert_element_type3A_34 : vector<1024x64xbf16> to vector<1x1024x64xbf16>
    tpu.vector_store %arg6[%swap3A, %swap3A_35, %swap3A_36], %swap3A_39 {strides = array<i32>} : memref<16x1024x64xbf16, #tpu.memory_space<vmem>>, vector<1x1024x64xbf16>,
    %slice3A_40 = vector.extract_strided_slice %dot_general3A_17 {offsets = [0, 64], sizes = [1024, 64], strides = [1, 1]} : vector<1024x1536xf32> to vector<1024x64xf32>
    %slice3A_41 = vector.extract_strided_slice %slice3A_40 {offsets = [0, 32], sizes = [1024, 32], strides = [1, 1]} : vector<1024x64xf32> to vector<1024x32xf32>
    %neg3A_42 = arith.constant 0.000000e+00 : f32
    %neg3A_43 = vector.broadcast %neg3A_42 : f32 to vector<1024x32xf32>
    %neg3A_44 = arith.subf %neg3A_43, %slice3A_41 : vector<1024x32xf32>
    %slice3A_45 = vector.extract_strided_slice %slice3A_40 {offsets = [0, 0], sizes = [1024, 32], strides = [1, 1]} : vector<1024x64xf32> to vector<1024x32xf32>
    %concatenate3A_46 = tpu.concatenate %neg3A_44, %slice3A_45 in 1 : vector<1024x32xf32>, vector<1024x32xf32> -> vector<1024x64xf32>
    %mul3A_47 = arith.mulf %slice3A_40, %get3A_20 : vector<1024x64xf32>
    %mul3A_48 = arith.mulf %concatenate3A_46, %get3A_23 : vector<1024x64xf32>
    %add3A_49 = arith.addf %mul3A_47, %mul3A_48 : vector<1024x64xf32>
    %mul3A_50 = arith.constant 1.250000e-01 : f32
    %mul3A_51 = vector.broadcast %mul3A_50 : f32 to vector<1024x64xf32>
    %mul3A_52 = arith.mulf %add3A_49, %mul3A_51 : vector<1024x64xf32>
    %convert_element_type3A_53 = arith.truncf %mul3A_52 : vector<1024x64xf32> to vector<1024x64xbf16>
    %swap3A_54 = arith.constant 1 : index
    %swap3A_55 = arith.constant 0 : index
    %swap3A_56 = arith.constant 0 : index
    %swap3A_57 = vector.load %arg6[%swap3A_54, %swap3A_55, %swap3A_56] : memref<16x1024x64xbf16, #tpu.memory_space<vmem>>, vector<1x1024x64xbf16>
    %swap3A_58 = vector.shape_cast %swap3A_57 : vector<1x1024x64xbf16> to vector<1024x64xbf16>
    %swap3A_59 = vector.shape_cast %convert_element_type3A_53 : vector<1024x64xbf16> to vector<1x1024x64xbf16>
    tpu.vector_store %arg6[%swap3A_54, %swap3A_55, %swap3A_56], %swap3A_59 {strides = array<i32>} : memref<16x1024x64xbf16, #tpu.memory_space<vmem>>, vector<1x1024x64xbf16>,
    %slice3A_60 = vector.extract_strided_slice %dot_general3A_17 {offsets = [0, 128], sizes = [1024, 64], strides = [1, 1]} : vector<1024x1536xf32> to vector<1024x64xf32>
    %slice3A_61 = vector.extract_strided_slice %slice3A_60 {offsets = [0, 32], sizes = [1024, 32], strides = [1, 1]} : vector<1024x64xf32> to vector<1024x32xf32>
    %neg3A_62 = arith.constant 0.000000e+00 : f32
    %neg3A_63 = vector.broadcast %neg3A_62 : f32 to vector<1024x32xf32>
    %neg3A_64 = arith.subf %neg3A_63, %slice3A_61 : vector<1024x32xf32>
    %slice3A_65 = vector.extract_strided_slice %slice3A_60 {offsets = [0, 0], sizes = [1024, 32], strides = [1, 1]} : vector<1024x64xf32> to vector<1024x32xf32>
    %concatenate3A_66 = tpu.concatenate %neg3A_64, %slice3A_65 in 1 : vector<1024x32xf32>, vector<1024x32xf32> -> vector<1024x64xf32>
    %mul3A_67 = arith.mulf %slice3A_60, %get3A_20 : vector<1024x64xf32>
    %mul3A_68 = arith.mulf %concatenate3A_66, %get3A_23 : vector<1024x64xf32>
    %add3A_69 = arith.addf %mul3A_67, %mul3A_68 : vector<1024x64xf32>
    %mul3A_70 = arith.constant 1.250000e-01 : f32
    %mul3A_71 = vector.broadcast %mul3A_70 : f32 to vector<1024x64xf32>
    %mul3A_72 = arith.mulf %add3A_69, %mul3A_71 : vector<1024x64xf32>
    %convert_element_type3A_73 = arith.truncf %mul3A_72 : vector<1024x64xf32> to vector<1024x64xbf16>
    %swap3A_74 = arith.constant 2 : index
    %swap3A_75 = arith.constant 0 : index
    %swap3A_76 = arith.constant 0 : index
    %swap3A_77 = vector.load %arg6[%swap3A_74, %swap3A_75, %swap3A_76] : memref<16x1024x64xbf16, #tpu.memory_space<vmem>>, vector<1x1024x64xbf16>
    %swap3A_78 = vector.shape_cast %swap3A_77 : vector<1x1024x64xbf16> to vector<1024x64xbf16>
    %swap3A_79 = vector.shape_cast %convert_element_type3A_73 : vector<1024x64xbf16> to vector<1x1024x64xbf16>
    tpu.vector_store %arg6[%swap3A_74, %swap3A_75, %swap3A_76], %swap3A_79 {strides = array<i32>} : memref<16x1024x64xbf16, #tpu.memory_space<vmem>>, vector<1x1024x64xbf16>,
    %slice3A_80 = vector.extract_strided_slice %dot_general3A_17 {offsets = [0, 192], sizes = [1024, 64], strides = [1, 1]} : vector<1024x1536xf32> to vector<1024x64xf32>
    %slice3A_81 = vector.extract_strided_slice %slice3A_80 {offsets = [0, 32], sizes = [1024, 32], strides = [1, 1]} : vector<1024x64xf32> to vector<1024x32xf32>
    %neg3A_82 = arith.constant 0.000000e+00 : f32
    %neg3A_83 = vector.broadcast %neg3A_82 : f32 to vector<1024x32xf32>
    %neg3A_84 = arith.subf %neg3A_83, %slice3A_81 : vector<1024x32xf32>
    %slice3A_85 = vector.extract_strided_slice %slice3A_80 {offsets = [0, 0], sizes = [1024, 32], strides = [1, 1]} : vector<1024x64xf32> to vector<1024x32xf32>
    %concatenate3A_86 = tpu.concatenate %neg3A_84, %slice3A_85 in 1 : vector<1024x32xf32>, vector<1024x32xf32> -> vector<1024x64xf32>
    %mul3A_87 = arith.mulf %slice3A_80, %get3A_20 : vector<1024x64xf32>
    %mul3A_88 = arith.mulf %concatenate3A_86, %get3A_23 : vector<1024x64xf32>
    %add3A_89 = arith.addf %mul3A_87, %mul3A_88 : vector<1024x64xf32>
    %mul3A_90 = arith.constant 1.250000e-01 : f32
    %mul3A_91 = vector.broadcast %mul3A_90 : f32 to vector<1024x64xf32>
    %mul3A_92 = arith.mulf %add3A_89, %mul3A_91 : vector<1024x64xf32>
    %convert_element_type3A_93 = arith.truncf %mul3A_92 : vector<1024x64xf32> to vector<1024x64xbf16>
    %swap3A_94 = arith.constant 3 : index
    %swap3A_95 = arith.constant 0 : index
    %swap3A_96 = arith.constant 0 : index
    %swap3A_97 = vector.load %arg6[%swap3A_94, %swap3A_95, %swap3A_96] : memref<16x1024x64xbf16, #tpu.memory_space<vmem>>, vector<1x1024x64xbf16>
    %swap3A_98 = vector.shape_cast %swap3A_97 : vector<1x1024x64xbf16> to vector<1024x64xbf16>
    %swap3A_99 = vector.shape_cast %convert_element_type3A_93 : vector<1024x64xbf16> to vector<1x1024x64xbf16>
    tpu.vector_store %arg6[%swap3A_94, %swap3A_95, %swap3A_96], %swap3A_99 {strides = array<i32>} : memref<16x1024x64xbf16, #tpu.memory_space<vmem>>, vector<1x1024x64xbf16>,
    %slice3A_100 = vector.extract_strided_slice %dot_general3A_17 {offsets = [0, 256], sizes = [1024, 64], strides = [1, 1]} : vector<1024x1536xf32> to vector<1024x64xf32>
    %slice3A_101 = vector.extract_strided_slice %slice3A_100 {offsets = [0, 32], sizes = [1024, 32], strides = [1, 1]} : vector<1024x64xf32> to vector<1024x32xf32>
    %neg3A_102 = arith.constant 0.000000e+00 : f32
    %neg3A_103 = vector.broadcast %neg3A_102 : f32 to vector<1024x32xf32>
    %neg3A_104 = arith.subf %neg3A_103, %slice3A_101 : vector<1024x32xf32>
    %slice3A_105 = vector.extract_strided_slice %slice3A_100 {offsets = [0, 0], sizes = [1024, 32], strides = [1, 1]} : vector<1024x64xf32> to vector<1024x32xf32>
    %concatenate3A_106 = tpu.concatenate %neg3A_104, %slice3A_105 in 1 : vector<1024x32xf32>, vector<1024x32xf32> -> vector<1024x64xf32>
    %mul3A_107 = arith.mulf %slice3A_100, %get3A_20 : vector<1024x64xf32>
    %mul3A_108 = arith.mulf %concatenate3A_106, %get3A_23 : vector<1024x64xf32>
    %add3A_109 = arith.addf %mul3A_107, %mul3A_108 : vector<1024x64xf32>
    %mul3A_110 = arith.constant 1.250000e-01 : f32
    %mul3A_111 = vector.broadcast %mul3A_110 : f32 to vector<1024x64xf32>
    %mul3A_112 = arith.mulf %add3A_109, %mul3A_111 : vector<1024x64xf32>
    %convert_element_type3A_113 = arith.truncf %mul3A_112 : vector<1024x64xf32> to vector<1024x64xbf16>
    %swap3A_114 = arith.constant 4 : index
    %swap3A_115 = arith.constant 0 : index
    %swap3A_116 = arith.constant 0 : index
    %swap3A_117 = vector.load %arg6[%swap3A_114, %swap3A_115, %swap3A_116] : memref<16x1024x64xbf16, #tpu.memory_space<vmem>>, vector<1x1024x64xbf16>
    %swap3A_118 = vector.shape_cast %swap3A_117 : vector<1x1024x64xbf16> to vector<1024x64xbf16>
    %swap3A_119 = vector.shape_cast %convert_element_type3A_113 : vector<1024x64xbf16> to vector<1x1024x64xbf16>
    tpu.vector_store %arg6[%swap3A_114, %swap3A_115, %swap3A_116], %swap3A_119 {strides = array<i32>} : memref<16x1024x64xbf16, #tpu.memory_space<vmem>>, vector<1x1024x64xbf16>,
    %slice3A_120 = vector.extract_strided_slice %dot_general3A_17 {offsets = [0, 320], sizes = [1024, 64], strides = [1, 1]} : vector<1024x1536xf32> to vector<1024x64xf32>
    %slice3A_121 = vector.extract_strided_slice %slice3A_120 {offsets = [0, 32], sizes = [1024, 32], strides = [1, 1]} : vector<1024x64xf32> to vector<1024x32xf32>
    %neg3A_122 = arith.constant 0.000000e+00 : f32
    %neg3A_123 = vector.broadcast %neg3A_122 : f32 to vector<1024x32xf32>
    %neg3A_124 = arith.subf %neg3A_123, %slice3A_121 : vector<1024x32xf32>
    %slice3A_125 = vector.extract_strided_slice %slice3A_120 {offsets = [0, 0], sizes = [1024, 32], strides = [1, 1]} : vector<1024x64xf32> to vector<1024x32xf32>
    %concatenate3A_126 = tpu.concatenate %neg3A_124, %slice3A_125 in 1 : vector<1024x32xf32>, vector<1024x32xf32> -> vector<1024x64xf32>
    %mul3A_127 = arith.mulf %slice3A_120, %get3A_20 : vector<1024x64xf32>
    %mul3A_128 = arith.mulf %concatenate3A_126, %get3A_23 : vector<1024x64xf32>
    %add3A_129 = arith.addf %mul3A_127, %mul3A_128 : vector<1024x64xf32>
    %mul3A_130 = arith.constant 1.250000e-01 : f32
    %mul3A_131 = vector.broadcast %mul3A_130 : f32 to vector<1024x64xf32>
    %mul3A_132 = arith.mulf %add3A_129, %mul3A_131 : vector<1024x64xf32>
    %convert_element_type3A_133 = arith.truncf %mul3A_132 : vector<1024x64xf32> to vector<1024x64xbf16>
    %swap3A_134 = arith.constant 5 : index
    %swap3A_135 = arith.constant 0 : index
    %swap3A_136 = arith.constant 0 : index
    %swap3A_137 = vector.load %arg6[%swap3A_134, %swap3A_135, %swap3A_136] : memref<16x1024x64xbf16, #tpu.memory_space<vmem>>, vector<1x1024x64xbf16>
    %swap3A_138 = vector.shape_cast %swap3A_137 : vector<1x1024x64xbf16> to vector<1024x64xbf16>
    %swap3A_139 = vector.shape_cast %convert_element_type3A_133 : vector<1024x64xbf16> to vector<1x1024x64xbf16>
    tpu.vector_store %arg6[%swap3A_134, %swap3A_135, %swap3A_136], %swap3A_139 {strides = array<i32>} : memref<16x1024x64xbf16, #tpu.memory_space<vmem>>, vector<1x1024x64xbf16>,
    %slice3A_140 = vector.extract_strided_slice %dot_general3A_17 {offsets = [0, 384], sizes = [1024, 64], strides = [1, 1]} : vector<1024x1536xf32> to vector<1024x64xf32>
    %slice3A_141 = vector.extract_strided_slice %slice3A_140 {offsets = [0, 32], sizes = [1024, 32], strides = [1, 1]} : vector<1024x64xf32> to vector<1024x32xf32>
    %neg3A_142 = arith.constant 0.000000e+00 : f32
    %neg3A_143 = vector.broadcast %neg3A_142 : f32 to vector<1024x32xf32>
    %neg3A_144 = arith.subf %neg3A_143, %slice3A_141 : vector<1024x32xf32>
    %slice3A_145 = vector.extract_strided_slice %slice3A_140 {offsets = [0, 0], sizes = [1024, 32], strides = [1, 1]} : vector<1024x64xf32> to vector<1024x32xf32>
    %concatenate3A_146 = tpu.concatenate %neg3A_144, %slice3A_145 in 1 : vector<1024x32xf32>, vector<1024x32xf32> -> vector<1024x64xf32>
    %mul3A_147 = arith.mulf %slice3A_140, %get3A_20 : vector<1024x64xf32>
    %mul3A_148 = arith.mulf %concatenate3A_146, %get3A_23 : vector<1024x64xf32>
    %add3A_149 = arith.addf %mul3A_147, %mul3A_148 : vector<1024x64xf32>
    %mul3A_150 = arith.constant 1.250000e-01 : f32
    %mul3A_151 = vector.broadcast %mul3A_150 : f32 to vector<1024x64xf32>
    %mul3A_152 = arith.mulf %add3A_149, %mul3A_151 : vector<1024x64xf32>
    %convert_element_type3A_153 = arith.truncf %mul3A_152 : vector<1024x64xf32> to vector<1024x64xbf16>
    %swap3A_154 = arith.constant 6 : index
    %swap3A_155 = arith.constant 0 : index
    %swap3A_156 = arith.constant 0 : index
    %swap3A_157 = vector.load %arg6[%swap3A_154, %swap3A_155, %swap3A_156] : memref<16x1024x64xbf16, #tpu.memory_space<vmem>>, vector<1x1024x64xbf16>
    %swap3A_158 = vector.shape_cast %swap3A_157 : vector<1x1024x64xbf16> to vector<1024x64xbf16>
    %swap3A_159 = vector.shape_cast %convert_element_type3A_153 : vector<1024x64xbf16> to vector<1x1024x64xbf16>
    tpu.vector_store %arg6[%swap3A_154, %swap3A_155, %swap3A_156], %swap3A_159 {strides = array<i32>} : memref<16x1024x64xbf16, #tpu.memory_space<vmem>>, vector<1x1024x64xbf16>,
    %slice3A_160 = vector.extract_strided_slice %dot_general3A_17 {offsets = [0, 448], sizes = [1024, 64], strides = [1, 1]} : vector<1024x1536xf32> to vector<1024x64xf32>
    %slice3A_161 = vector.extract_strided_slice %slice3A_160 {offsets = [0, 32], sizes = [1024, 32], strides = [1, 1]} : vector<1024x64xf32> to vector<1024x32xf32>
    %neg3A_162 = arith.constant 0.000000e+00 : f32
    %neg3A_163 = vector.broadcast %neg3A_162 : f32 to vector<1024x32xf32>
    %neg3A_164 = arith.subf %neg3A_163, %slice3A_161 : vector<1024x32xf32>
    %slice3A_165 = vector.extract_strided_slice %slice3A_160 {offsets = [0, 0], sizes = [1024, 32], strides = [1, 1]} : vector<1024x64xf32> to vector<1024x32xf32>
    %concatenate3A_166 = tpu.concatenate %neg3A_164, %slice3A_165 in 1 : vector<1024x32xf32>, vector<1024x32xf32> -> vector<1024x64xf32>
    %mul3A_167 = arith.mulf %slice3A_160, %get3A_20 : vector<1024x64xf32>
    %mul3A_168 = arith.mulf %concatenate3A_166, %get3A_23 : vector<1024x64xf32>
    %add3A_169 = arith.addf %mul3A_167, %mul3A_168 : vector<1024x64xf32>
    %mul3A_170 = arith.constant 1.250000e-01 : f32
    %mul3A_171 = vector.broadcast %mul3A_170 : f32 to vector<1024x64xf32>
    %mul3A_172 = arith.mulf %add3A_169, %mul3A_171 : vector<1024x64xf32>
    %convert_element_type3A_173 = arith.truncf %mul3A_172 : vector<1024x64xf32> to vector<1024x64xbf16>
    %swap3A_174 = arith.constant 7 : index
    %swap3A_175 = arith.constant 0 : index
    %swap3A_176 = arith.constant 0 : index
    %swap3A_177 = vector.load %arg6[%swap3A_174, %swap3A_175, %swap3A_176] : memref<16x1024x64xbf16, #tpu.memory_space<vmem>>, vector<1x1024x64xbf16>
    %swap3A_178 = vector.shape_cast %swap3A_177 : vector<1x1024x64xbf16> to vector<1024x64xbf16>
    %swap3A_179 = vector.shape_cast %convert_element_type3A_173 : vector<1024x64xbf16> to vector<1x1024x64xbf16>
    tpu.vector_store %arg6[%swap3A_174, %swap3A_175, %swap3A_176], %swap3A_179 {strides = array<i32>} : memref<16x1024x64xbf16, #tpu.memory_space<vmem>>, vector<1x1024x64xbf16>,
    %slice3A_180 = vector.extract_strided_slice %dot_general3A_17 {offsets = [0, 512], sizes = [1024, 64], strides = [1, 1]} : vector<1024x1536xf32> to vector<1024x64xf32>
    %slice3A_181 = vector.extract_strided_slice %slice3A_180 {offsets = [0, 32], sizes = [1024, 32], strides = [1, 1]} : vector<1024x64xf32> to vector<1024x32xf32>
    %neg3A_182 = arith.constant 0.000000e+00 : f32
    %neg3A_183 = vector.broadcast %neg3A_182 : f32 to vector<1024x32xf32>
    %neg3A_184 = arith.subf %neg3A_183, %slice3A_181 : vector<1024x32xf32>
    %slice3A_185 = vector.extract_strided_slice %slice3A_180 {offsets = [0, 0], sizes = [1024, 32], strides = [1, 1]} : vector<1024x64xf32> to vector<1024x32xf32>
    %concatenate3A_186 = tpu.concatenate %neg3A_184, %slice3A_185 in 1 : vector<1024x32xf32>, vector<1024x32xf32> -> vector<1024x64xf32>
    %mul3A_187 = arith.mulf %slice3A_180, %get3A_20 : vector<1024x64xf32>
    %mul3A_188 = arith.mulf %concatenate3A_186, %get3A_23 : vector<1024x64xf32>
    %add3A_189 = arith.addf %mul3A_187, %mul3A_188 : vector<1024x64xf32>
    %mul3A_190 = arith.constant 1.250000e-01 : f32
    %mul3A_191 = vector.broadcast %mul3A_190 : f32 to vector<1024x64xf32>
    %mul3A_192 = arith.mulf %add3A_189, %mul3A_191 : vector<1024x64xf32>
    %convert_element_type3A_193 = arith.truncf %mul3A_192 : vector<1024x64xf32> to vector<1024x64xbf16>
    %swap3A_194 = arith.constant 8 : index
    %swap3A_195 = arith.constant 0 : index
    %swap3A_196 = arith.constant 0 : index
    %swap3A_197 = vector.load %arg6[%swap3A_194, %swap3A_195, %swap3A_196] : memref<16x1024x64xbf16, #tpu.memory_space<vmem>>, vector<1x1024x64xbf16>
    %swap3A_198 = vector.shape_cast %swap3A_197 : vector<1x1024x64xbf16> to vector<1024x64xbf16>
    %swap3A_199 = vector.shape_cast %convert_element_type3A_193 : vector<1024x64xbf16> to vector<1x1024x64xbf16>
    tpu.vector_store %arg6[%swap3A_194, %swap3A_195, %swap3A_196], %swap3A_199 {strides = array<i32>} : memref<16x1024x64xbf16, #tpu.memory_space<vmem>>, vector<1x1024x64xbf16>,
    %slice3A_200 = vector.extract_strided_slice %dot_general3A_17 {offsets = [0, 576], sizes = [1024, 64], strides = [1, 1]} : vector<1024x1536xf32> to vector<1024x64xf32>
    %slice3A_201 = vector.extract_strided_slice %slice3A_200 {offsets = [0, 32], sizes = [1024, 32], strides = [1, 1]} : vector<1024x64xf32> to vector<1024x32xf32>
    %neg3A_202 = arith.constant 0.000000e+00 : f32
    %neg3A_203 = vector.broadcast %neg3A_202 : f32 to vector<1024x32xf32>
    %neg3A_204 = arith.subf %neg3A_203, %slice3A_201 : vector<1024x32xf32>
    %slice3A_205 = vector.extract_strided_slice %slice3A_200 {offsets = [0, 0], sizes = [1024, 32], strides = [1, 1]} : vector<1024x64xf32> to vector<1024x32xf32>
    %concatenate3A_206 = tpu.concatenate %neg3A_204, %slice3A_205 in 1 : vector<1024x32xf32>, vector<1024x32xf32> -> vector<1024x64xf32>
    %mul3A_207 = arith.mulf %slice3A_200, %get3A_20 : vector<1024x64xf32>
    %mul3A_208 = arith.mulf %concatenate3A_206, %get3A_23 : vector<1024x64xf32>
    %add3A_209 = arith.addf %mul3A_207, %mul3A_208 : vector<1024x64xf32>
    %mul3A_210 = arith.constant 1.250000e-01 : f32
    %mul3A_211 = vector.broadcast %mul3A_210 : f32 to vector<1024x64xf32>
    %mul3A_212 = arith.mulf %add3A_209, %mul3A_211 : vector<1024x64xf32>
    %convert_element_type3A_213 = arith.truncf %mul3A_212 : vector<1024x64xf32> to vector<1024x64xbf16>
    %swap3A_214 = arith.constant 9 : index
    %swap3A_215 = arith.constant 0 : index
    %swap3A_216 = arith.constant 0 : index
    %swap3A_217 = vector.load %arg6[%swap3A_214, %swap3A_215, %swap3A_216] : memref<16x1024x64xbf16, #tpu.memory_space<vmem>>, vector<1x1024x64xbf16>
    %swap3A_218 = vector.shape_cast %swap3A_217 : vector<1x1024x64xbf16> to vector<1024x64xbf16>
    %swap3A_219 = vector.shape_cast %convert_element_type3A_213 : vector<1024x64xbf16> to vector<1x1024x64xbf16>
    tpu.vector_store %arg6[%swap3A_214, %swap3A_215, %swap3A_216], %swap3A_219 {strides = array<i32>} : memref<16x1024x64xbf16, #tpu.memory_space<vmem>>, vector<1x1024x64xbf16>,
    %slice3A_220 = vector.extract_strided_slice %dot_general3A_17 {offsets = [0, 640], sizes = [1024, 64], strides = [1, 1]} : vector<1024x1536xf32> to vector<1024x64xf32>
    %slice3A_221 = vector.extract_strided_slice %slice3A_220 {offsets = [0, 32], sizes = [1024, 32], strides = [1, 1]} : vector<1024x64xf32> to vector<1024x32xf32>
    %neg3A_222 = arith.constant 0.000000e+00 : f32
    %neg3A_223 = vector.broadcast %neg3A_222 : f32 to vector<1024x32xf32>
    %neg3A_224 = arith.subf %neg3A_223, %slice3A_221 : vector<1024x32xf32>
    %slice3A_225 = vector.extract_strided_slice %slice3A_220 {offsets = [0, 0], sizes = [1024, 32], strides = [1, 1]} : vector<1024x64xf32> to vector<1024x32xf32>
    %concatenate3A_226 = tpu.concatenate %neg3A_224, %slice3A_225 in 1 : vector<1024x32xf32>, vector<1024x32xf32> -> vector<1024x64xf32>
    %mul3A_227 = arith.mulf %slice3A_220, %get3A_20 : vector<1024x64xf32>
    %mul3A_228 = arith.mulf %concatenate3A_226, %get3A_23 : vector<1024x64xf32>
    %add3A_229 = arith.addf %mul3A_227, %mul3A_228 : vector<1024x64xf32>
    %mul3A_230 = arith.constant 1.250000e-01 : f32
    %mul3A_231 = vector.broadcast %mul3A_230 : f32 to vector<1024x64xf32>
    %mul3A_232 = arith.mulf %add3A_229, %mul3A_231 : vector<1024x64xf32>
    %convert_element_type3A_233 = arith.truncf %mul3A_232 : vector<1024x64xf32> to vector<1024x64xbf16>
    %swap3A_234 = arith.constant 10 : index
    %swap3A_235 = arith.constant 0 : index
    %swap3A_236 = arith.constant 0 : index
    %swap3A_237 = vector.load %arg6[%swap3A_234, %swap3A_235, %swap3A_236] : memref<16x1024x64xbf16, #tpu.memory_space<vmem>>, vector<1x1024x64xbf16>
    %swap3A_238 = vector.shape_cast %swap3A_237 : vector<1x1024x64xbf16> to vector<1024x64xbf16>
    %swap3A_239 = vector.shape_cast %convert_element_type3A_233 : vector<1024x64xbf16> to vector<1x1024x64xbf16>
    tpu.vector_store %arg6[%swap3A_234, %swap3A_235, %swap3A_236], %swap3A_239 {strides = array<i32>} : memref<16x1024x64xbf16, #tpu.memory_space<vmem>>, vector<1x1024x64xbf16>,
    %slice3A_240 = vector.extract_strided_slice %dot_general3A_17 {offsets = [0, 704], sizes = [1024, 64], strides = [1, 1]} : vector<1024x1536xf32> to vector<1024x64xf32>
    %slice3A_241 = vector.extract_strided_slice %slice3A_240 {offsets = [0, 32], sizes = [1024, 32], strides = [1, 1]} : vector<1024x64xf32> to vector<1024x32xf32>
    %neg3A_242 = arith.constant 0.000000e+00 : f32
    %neg3A_243 = vector.broadcast %neg3A_242 : f32 to vector<1024x32xf32>
    %neg3A_244 = arith.subf %neg3A_243, %slice3A_241 : vector<1024x32xf32>
    %slice3A_245 = vector.extract_strided_slice %slice3A_240 {offsets = [0, 0], sizes = [1024, 32], strides = [1, 1]} : vector<1024x64xf32> to vector<1024x32xf32>
    %concatenate3A_246 = tpu.concatenate %neg3A_244, %slice3A_245 in 1 : vector<1024x32xf32>, vector<1024x32xf32> -> vector<1024x64xf32>
    %mul3A_247 = arith.mulf %slice3A_240, %get3A_20 : vector<1024x64xf32>
    %mul3A_248 = arith.mulf %concatenate3A_246, %get3A_23 : vector<1024x64xf32>
    %add3A_249 = arith.addf %mul3A_247, %mul3A_248 : vector<1024x64xf32>
    %mul3A_250 = arith.constant 1.250000e-01 : f32
    %mul3A_251 = vector.broadcast %mul3A_250 : f32 to vector<1024x64xf32>
    %mul3A_252 = arith.mulf %add3A_249, %mul3A_251 : vector<1024x64xf32>
    %convert_element_type3A_253 = arith.truncf %mul3A_252 : vector<1024x64xf32> to vector<1024x64xbf16>
    %swap3A_254 = arith.constant 11 : index
    %swap3A_255 = arith.constant 0 : index
    %swap3A_256 = arith.constant 0 : index
    %swap3A_257 = vector.load %arg6[%swap3A_254, %swap3A_255, %swap3A_256] : memref<16x1024x64xbf16, #tpu.memory_space<vmem>>, vector<1x1024x64xbf16>
    %swap3A_258 = vector.shape_cast %swap3A_257 : vector<1x1024x64xbf16> to vector<1024x64xbf16>
    %swap3A_259 = vector.shape_cast %convert_element_type3A_253 : vector<1024x64xbf16> to vector<1x1024x64xbf16>
    tpu.vector_store %arg6[%swap3A_254, %swap3A_255, %swap3A_256], %swap3A_259 {strides = array<i32>} : memref<16x1024x64xbf16, #tpu.memory_space<vmem>>, vector<1x1024x64xbf16>,
    %slice3A_260 = vector.extract_strided_slice %dot_general3A_17 {offsets = [0, 768], sizes = [1024, 64], strides = [1, 1]} : vector<1024x1536xf32> to vector<1024x64xf32>
    %slice3A_261 = vector.extract_strided_slice %slice3A_260 {offsets = [0, 32], sizes = [1024, 32], strides = [1, 1]} : vector<1024x64xf32> to vector<1024x32xf32>
    %neg3A_262 = arith.constant 0.000000e+00 : f32
    %neg3A_263 = vector.broadcast %neg3A_262 : f32 to vector<1024x32xf32>
    %neg3A_264 = arith.subf %neg3A_263, %slice3A_261 : vector<1024x32xf32>
    %slice3A_265 = vector.extract_strided_slice %slice3A_260 {offsets = [0, 0], sizes = [1024, 32], strides = [1, 1]} : vector<1024x64xf32> to vector<1024x32xf32>
    %concatenate3A_266 = tpu.concatenate %neg3A_264, %slice3A_265 in 1 : vector<1024x32xf32>, vector<1024x32xf32> -> vector<1024x64xf32>
    %mul3A_267 = arith.mulf %slice3A_260, %get3A_20 : vector<1024x64xf32>
    %mul3A_268 = arith.mulf %concatenate3A_266, %get3A_23 : vector<1024x64xf32>
    %add3A_269 = arith.addf %mul3A_267, %mul3A_268 : vector<1024x64xf32>
    %mul3A_270 = arith.constant 1.250000e-01 : f32
    %mul3A_271 = vector.broadcast %mul3A_270 : f32 to vector<1024x64xf32>
    %mul3A_272 = arith.mulf %add3A_269, %mul3A_271 : vector<1024x64xf32>
    %convert_element_type3A_273 = arith.truncf %mul3A_272 : vector<1024x64xf32> to vector<1024x64xbf16>
    %swap3A_274 = arith.constant 12 : index
    %swap3A_275 = arith.constant 0 : index
    %swap3A_276 = arith.constant 0 : index
    %swap3A_277 = vector.load %arg6[%swap3A_274, %swap3A_275, %swap3A_276] : memref<16x1024x64xbf16, #tpu.memory_space<vmem>>, vector<1x1024x64xbf16>
    %swap3A_278 = vector.shape_cast %swap3A_277 : vector<1x1024x64xbf16> to vector<1024x64xbf16>
    %swap3A_279 = vector.shape_cast %convert_element_type3A_273 : vector<1024x64xbf16> to vector<1x1024x64xbf16>
    tpu.vector_store %arg6[%swap3A_274, %swap3A_275, %swap3A_276], %swap3A_279 {strides = array<i32>} : memref<16x1024x64xbf16, #tpu.memory_space<vmem>>, vector<1x1024x64xbf16>,
    %slice3A_280 = vector.extract_strided_slice %dot_general3A_17 {offsets = [0, 832], sizes = [1024, 64], strides = [1, 1]} : vector<1024x1536xf32> to vector<1024x64xf32>
    %slice3A_281 = vector.extract_strided_slice %slice3A_280 {offsets = [0, 32], sizes = [1024, 32], strides = [1, 1]} : vector<1024x64xf32> to vector<1024x32xf32>
    %neg3A_282 = arith.constant 0.000000e+00 : f32
    %neg3A_283 = vector.broadcast %neg3A_282 : f32 to vector<1024x32xf32>
    %neg3A_284 = arith.subf %neg3A_283, %slice3A_281 : vector<1024x32xf32>
    %slice3A_285 = vector.extract_strided_slice %slice3A_280 {offsets = [0, 0], sizes = [1024, 32], strides = [1, 1]} : vector<1024x64xf32> to vector<1024x32xf32>
    %concatenate3A_286 = tpu.concatenate %neg3A_284, %slice3A_285 in 1 : vector<1024x32xf32>, vector<1024x32xf32> -> vector<1024x64xf32>
    %mul3A_287 = arith.mulf %slice3A_280, %get3A_20 : vector<1024x64xf32>
    %mul3A_288 = arith.mulf %concatenate3A_286, %get3A_23 : vector<1024x64xf32>
    %add3A_289 = arith.addf %mul3A_287, %mul3A_288 : vector<1024x64xf32>
    %mul3A_290 = arith.constant 1.250000e-01 : f32
    %mul3A_291 = vector.broadcast %mul3A_290 : f32 to vector<1024x64xf32>
    %mul3A_292 = arith.mulf %add3A_289, %mul3A_291 : vector<1024x64xf32>
    %convert_element_type3A_293 = arith.truncf %mul3A_292 : vector<1024x64xf32> to vector<1024x64xbf16>
    %swap3A_294 = arith.constant 13 : index
    %swap3A_295 = arith.constant 0 : index
    %swap3A_296 = arith.constant 0 : index
    %swap3A_297 = vector.load %arg6[%swap3A_294, %swap3A_295, %swap3A_296] : memref<16x1024x64xbf16, #tpu.memory_space<vmem>>, vector<1x1024x64xbf16>
    %swap3A_298 = vector.shape_cast %swap3A_297 : vector<1x1024x64xbf16> to vector<1024x64xbf16>
    %swap3A_299 = vector.shape_cast %convert_element_type3A_293 : vector<1024x64xbf16> to vector<1x1024x64xbf16>
    tpu.vector_store %arg6[%swap3A_294, %swap3A_295, %swap3A_296], %swap3A_299 {strides = array<i32>} : memref<16x1024x64xbf16, #tpu.memory_space<vmem>>, vector<1x1024x64xbf16>,
    %slice3A_300 = vector.extract_strided_slice %dot_general3A_17 {offsets = [0, 896], sizes = [1024, 64], strides = [1, 1]} : vector<1024x1536xf32> to vector<1024x64xf32>
    %slice3A_301 = vector.extract_strided_slice %slice3A_300 {offsets = [0, 32], sizes = [1024, 32], strides = [1, 1]} : vector<1024x64xf32> to vector<1024x32xf32>
    %neg3A_302 = arith.constant 0.000000e+00 : f32
    %neg3A_303 = vector.broadcast %neg3A_302 : f32 to vector<1024x32xf32>
    %neg3A_304 = arith.subf %neg3A_303, %slice3A_301 : vector<1024x32xf32>
    %slice3A_305 = vector.extract_strided_slice %slice3A_300 {offsets = [0, 0], sizes = [1024, 32], strides = [1, 1]} : vector<1024x64xf32> to vector<1024x32xf32>
    %concatenate3A_306 = tpu.concatenate %neg3A_304, %slice3A_305 in 1 : vector<1024x32xf32>, vector<1024x32xf32> -> vector<1024x64xf32>
    %mul3A_307 = arith.mulf %slice3A_300, %get3A_20 : vector<1024x64xf32>
    %mul3A_308 = arith.mulf %concatenate3A_306, %get3A_23 : vector<1024x64xf32>
    %add3A_309 = arith.addf %mul3A_307, %mul3A_308 : vector<1024x64xf32>
    %mul3A_310 = arith.constant 1.250000e-01 : f32
    %mul3A_311 = vector.broadcast %mul3A_310 : f32 to vector<1024x64xf32>
    %mul3A_312 = arith.mulf %add3A_309, %mul3A_311 : vector<1024x64xf32>
    %convert_element_type3A_313 = arith.truncf %mul3A_312 : vector<1024x64xf32> to vector<1024x64xbf16>
    %swap3A_314 = arith.constant 14 : index
    %swap3A_315 = arith.constant 0 : index
    %swap3A_316 = arith.constant 0 : index
    %swap3A_317 = vector.load %arg6[%swap3A_314, %swap3A_315, %swap3A_316] : memref<16x1024x64xbf16, #tpu.memory_space<vmem>>, vector<1x1024x64xbf16>
    %swap3A_318 = vector.shape_cast %swap3A_317 : vector<1x1024x64xbf16> to vector<1024x64xbf16>
    %swap3A_319 = vector.shape_cast %convert_element_type3A_313 : vector<1024x64xbf16> to vector<1x1024x64xbf16>
    tpu.vector_store %arg6[%swap3A_314, %swap3A_315, %swap3A_316], %swap3A_319 {strides = array<i32>} : memref<16x1024x64xbf16, #tpu.memory_space<vmem>>, vector<1x1024x64xbf16>,
    %slice3A_320 = vector.extract_strided_slice %dot_general3A_17 {offsets = [0, 960], sizes = [1024, 64], strides = [1, 1]} : vector<1024x1536xf32> to vector<1024x64xf32>
    %slice3A_321 = vector.extract_strided_slice %slice3A_320 {offsets = [0, 32], sizes = [1024, 32], strides = [1, 1]} : vector<1024x64xf32> to vector<1024x32xf32>
    %neg3A_322 = arith.constant 0.000000e+00 : f32
    %neg3A_323 = vector.broadcast %neg3A_322 : f32 to vector<1024x32xf32>
    %neg3A_324 = arith.subf %neg3A_323, %slice3A_321 : vector<1024x32xf32>
    %slice3A_325 = vector.extract_strided_slice %slice3A_320 {offsets = [0, 0], sizes = [1024, 32], strides = [1, 1]} : vector<1024x64xf32> to vector<1024x32xf32>
    %concatenate3A_326 = tpu.concatenate %neg3A_324, %slice3A_325 in 1 : vector<1024x32xf32>, vector<1024x32xf32> -> vector<1024x64xf32>
    %mul3A_327 = arith.mulf %slice3A_320, %get3A_20 : vector<1024x64xf32>
    %mul3A_328 = arith.mulf %concatenate3A_326, %get3A_23 : vector<1024x64xf32>
    %add3A_329 = arith.addf %mul3A_327, %mul3A_328 : vector<1024x64xf32>
    %mul3A_330 = arith.constant 1.250000e-01 : f32
    %mul3A_331 = vector.broadcast %mul3A_330 : f32 to vector<1024x64xf32>
    %mul3A_332 = arith.mulf %add3A_329, %mul3A_331 : vector<1024x64xf32>
    %convert_element_type3A_333 = arith.truncf %mul3A_332 : vector<1024x64xf32> to vector<1024x64xbf16>
    %swap3A_334 = arith.constant 15 : index
    %swap3A_335 = arith.constant 0 : index
    %swap3A_336 = arith.constant 0 : index
    %swap3A_337 = vector.load %arg6[%swap3A_334, %swap3A_335, %swap3A_336] : memref<16x1024x64xbf16, #tpu.memory_space<vmem>>, vector<1x1024x64xbf16>
    %swap3A_338 = vector.shape_cast %swap3A_337 : vector<1x1024x64xbf16> to vector<1024x64xbf16>
    %swap3A_339 = vector.shape_cast %convert_element_type3A_333 : vector<1024x64xbf16> to vector<1x1024x64xbf16>
    tpu.vector_store %arg6[%swap3A_334, %swap3A_335, %swap3A_336], %swap3A_339 {strides = array<i32>} : memref<16x1024x64xbf16, #tpu.memory_space<vmem>>, vector<1x1024x64xbf16>,
    %slice3A_340 = vector.extract_strided_slice %dot_general3A_17 {offsets = [0, 1024], sizes = [1024, 64], strides = [1, 1]} : vector<1024x1536xf32> to vector<1024x64xf32>
    %slice3A_341 = vector.extract_strided_slice %slice3A_340 {offsets = [0, 32], sizes = [1024, 32], strides = [1, 1]} : vector<1024x64xf32> to vector<1024x32xf32>
    %neg3A_342 = arith.constant 0.000000e+00 : f32
    %neg3A_343 = vector.broadcast %neg3A_342 : f32 to vector<1024x32xf32>
    %neg3A_344 = arith.subf %neg3A_343, %slice3A_341 : vector<1024x32xf32>
    %slice3A_345 = vector.extract_strided_slice %slice3A_340 {offsets = [0, 0], sizes = [1024, 32], strides = [1, 1]} : vector<1024x64xf32> to vector<1024x32xf32>
    %concatenate3A_346 = tpu.concatenate %neg3A_344, %slice3A_345 in 1 : vector<1024x32xf32>, vector<1024x32xf32> -> vector<1024x64xf32>
    %mul3A_347 = arith.mulf %slice3A_340, %get3A_20 : vector<1024x64xf32>
    %mul3A_348 = arith.mulf %concatenate3A_346, %get3A_23 : vector<1024x64xf32>
    %add3A_349 = arith.addf %mul3A_347, %mul3A_348 : vector<1024x64xf32>
    %mul3A_350 = arith.constant 1.000000e+00 : f32
    %mul3A_351 = vector.broadcast %mul3A_350 : f32 to vector<1024x64xf32>
    %mul3A_352 = arith.mulf %add3A_349, %mul3A_351 : vector<1024x64xf32>
    %convert_element_type3A_353 = arith.truncf %mul3A_352 : vector<1024x64xf32> to vector<1024x64xbf16>
    %swap3A_354 = arith.constant 0 : index
    %swap3A_355 = arith.constant 0 : index
    %swap3A_356 = arith.constant 0 : index
    %swap3A_357 = vector.load %arg7[%swap3A_354, %swap3A_355, %swap3A_356] : memref<4x1024x64xbf16, #tpu.memory_space<vmem>>, vector<1x1024x64xbf16>
    %swap3A_358 = vector.shape_cast %swap3A_357 : vector<1x1024x64xbf16> to vector<1024x64xbf16>
    %swap3A_359 = vector.shape_cast %convert_element_type3A_353 : vector<1024x64xbf16> to vector<1x1024x64xbf16>
    tpu.vector_store %arg7[%swap3A_354, %swap3A_355, %swap3A_356], %swap3A_359 {strides = array<i32>} : memref<4x1024x64xbf16, #tpu.memory_space<vmem>>, vector<1x1024x64xbf16>,
    %slice3A_360 = vector.extract_strided_slice %dot_general3A_17 {offsets = [0, 1280], sizes = [1024, 64], strides = [1, 1]} : vector<1024x1536xf32> to vector<1024x64xf32>
    %convert_element_type3A_361 = arith.truncf %slice3A_360 : vector<1024x64xf32> to vector<1024x64xbf16>
    %swap3A_362 = arith.constant 0 : index
    %swap3A_363 = arith.constant 0 : index
    %swap3A_364 = arith.constant 0 : index
    %swap3A_365 = vector.load %arg8[%swap3A_362, %swap3A_363, %swap3A_364] : memref<4x1024x64xbf16, #tpu.memory_space<vmem>>, vector<1x1024x64xbf16>
    %swap3A_366 = vector.shape_cast %swap3A_365 : vector<1x1024x64xbf16> to vector<1024x64xbf16>
    %swap3A_367 = vector.shape_cast %convert_element_type3A_361 : vector<1024x64xbf16> to vector<1x1024x64xbf16>
    tpu.vector_store %arg8[%swap3A_362, %swap3A_363, %swap3A_364], %swap3A_367 {strides = array<i32>} : memref<4x1024x64xbf16, #tpu.memory_space<vmem>>, vector<1x1024x64xbf16>,
    %slice3A_368 = vector.extract_strided_slice %dot_general3A_17 {offsets = [0, 1088], sizes = [1024, 64], strides = [1, 1]} : vector<1024x1536xf32> to vector<1024x64xf32>
    %slice3A_369 = vector.extract_strided_slice %slice3A_368 {offsets = [0, 32], sizes = [1024, 32], strides = [1, 1]} : vector<1024x64xf32> to vector<1024x32xf32>
    %neg3A_370 = arith.constant 0.000000e+00 : f32
    %neg3A_371 = vector.broadcast %neg3A_370 : f32 to vector<1024x32xf32>
    %neg3A_372 = arith.subf %neg3A_371, %slice3A_369 : vector<1024x32xf32>
    %slice3A_373 = vector.extract_strided_slice %slice3A_368 {offsets = [0, 0], sizes = [1024, 32], strides = [1, 1]} : vector<1024x64xf32> to vector<1024x32xf32>
    %concatenate3A_374 = tpu.concatenate %neg3A_372, %slice3A_373 in 1 : vector<1024x32xf32>, vector<1024x32xf32> -> vector<1024x64xf32>
    %mul3A_375 = arith.mulf %slice3A_368, %get3A_20 : vector<1024x64xf32>
    %mul3A_376 = arith.mulf %concatenate3A_374, %get3A_23 : vector<1024x64xf32>
    %add3A_377 = arith.addf %mul3A_375, %mul3A_376 : vector<1024x64xf32>
    %mul3A_378 = arith.constant 1.000000e+00 : f32
    %mul3A_379 = vector.broadcast %mul3A_378 : f32 to vector<1024x64xf32>
    %mul3A_380 = arith.mulf %add3A_377, %mul3A_379 : vector<1024x64xf32>
    %convert_element_type3A_381 = arith.truncf %mul3A_380 : vector<1024x64xf32> to vector<1024x64xbf16>
    %swap3A_382 = arith.constant 1 : index
    %swap3A_383 = arith.constant 0 : index
    %swap3A_384 = arith.constant 0 : index
    %swap3A_385 = vector.load %arg7[%swap3A_382, %swap3A_383, %swap3A_384] : memref<4x1024x64xbf16, #tpu.memory_space<vmem>>, vector<1x1024x64xbf16>
    %swap3A_386 = vector.shape_cast %swap3A_385 : vector<1x1024x64xbf16> to vector<1024x64xbf16>
    %swap3A_387 = vector.shape_cast %convert_element_type3A_381 : vector<1024x64xbf16> to vector<1x1024x64xbf16>
    tpu.vector_store %arg7[%swap3A_382, %swap3A_383, %swap3A_384], %swap3A_387 {strides = array<i32>} : memref<4x1024x64xbf16, #tpu.memory_space<vmem>>, vector<1x1024x64xbf16>,
    %slice3A_388 = vector.extract_strided_slice %dot_general3A_17 {offsets = [0, 1344], sizes = [1024, 64], strides = [1, 1]} : vector<1024x1536xf32> to vector<1024x64xf32>
    %convert_element_type3A_389 = arith.truncf %slice3A_388 : vector<1024x64xf32> to vector<1024x64xbf16>
    %swap3A_390 = arith.constant 1 : index
    %swap3A_391 = arith.constant 0 : index
    %swap3A_392 = arith.constant 0 : index
    %swap3A_393 = vector.load %arg8[%swap3A_390, %swap3A_391, %swap3A_392] : memref<4x1024x64xbf16, #tpu.memory_space<vmem>>, vector<1x1024x64xbf16>
    %swap3A_394 = vector.shape_cast %swap3A_393 : vector<1x1024x64xbf16> to vector<1024x64xbf16>
    %swap3A_395 = vector.shape_cast %convert_element_type3A_389 : vector<1024x64xbf16> to vector<1x1024x64xbf16>
    tpu.vector_store %arg8[%swap3A_390, %swap3A_391, %swap3A_392], %swap3A_395 {strides = array<i32>} : memref<4x1024x64xbf16, #tpu.memory_space<vmem>>, vector<1x1024x64xbf16>,
    %slice3A_396 = vector.extract_strided_slice %dot_general3A_17 {offsets = [0, 1152], sizes = [1024, 64], strides = [1, 1]} : vector<1024x1536xf32> to vector<1024x64xf32>
    %slice3A_397 = vector.extract_strided_slice %slice3A_396 {offsets = [0, 32], sizes = [1024, 32], strides = [1, 1]} : vector<1024x64xf32> to vector<1024x32xf32>
    %neg3A_398 = arith.constant 0.000000e+00 : f32
    %neg3A_399 = vector.broadcast %neg3A_398 : f32 to vector<1024x32xf32>
    %neg3A_400 = arith.subf %neg3A_399, %slice3A_397 : vector<1024x32xf32>
    %slice3A_401 = vector.extract_strided_slice %slice3A_396 {offsets = [0, 0], sizes = [1024, 32], strides = [1, 1]} : vector<1024x64xf32> to vector<1024x32xf32>
    %concatenate3A_402 = tpu.concatenate %neg3A_400, %slice3A_401 in 1 : vector<1024x32xf32>, vector<1024x32xf32> -> vector<1024x64xf32>
    %mul3A_403 = arith.mulf %slice3A_396, %get3A_20 : vector<1024x64xf32>
    %mul3A_404 = arith.mulf %concatenate3A_402, %get3A_23 : vector<1024x64xf32>
    %add3A_405 = arith.addf %mul3A_403, %mul3A_404 : vector<1024x64xf32>
    %mul3A_406 = arith.constant 1.000000e+00 : f32
    %mul3A_407 = vector.broadcast %mul3A_406 : f32 to vector<1024x64xf32>
    %mul3A_408 = arith.mulf %add3A_405, %mul3A_407 : vector<1024x64xf32>
    %convert_element_type3A_409 = arith.truncf %mul3A_408 : vector<1024x64xf32> to vector<1024x64xbf16>
    %swap3A_410 = arith.constant 2 : index
    %swap3A_411 = arith.constant 0 : index
    %swap3A_412 = arith.constant 0 : index
    %swap3A_413 = vector.load %arg7[%swap3A_410, %swap3A_411, %swap3A_412] : memref<4x1024x64xbf16, #tpu.memory_space<vmem>>, vector<1x1024x64xbf16>
    %swap3A_414 = vector.shape_cast %swap3A_413 : vector<1x1024x64xbf16> to vector<1024x64xbf16>
    %swap3A_415 = vector.shape_cast %convert_element_type3A_409 : vector<1024x64xbf16> to vector<1x1024x64xbf16>
    tpu.vector_store %arg7[%swap3A_410, %swap3A_411, %swap3A_412], %swap3A_415 {strides = array<i32>} : memref<4x1024x64xbf16, #tpu.memory_space<vmem>>, vector<1x1024x64xbf16>,
    %slice3A_416 = vector.extract_strided_slice %dot_general3A_17 {offsets = [0, 1408], sizes = [1024, 64], strides = [1, 1]} : vector<1024x1536xf32> to vector<1024x64xf32>
    %convert_element_type3A_417 = arith.truncf %slice3A_416 : vector<1024x64xf32> to vector<1024x64xbf16>
    %swap3A_418 = arith.constant 2 : index
    %swap3A_419 = arith.constant 0 : index
    %swap3A_420 = arith.constant 0 : index
    %swap3A_421 = vector.load %arg8[%swap3A_418, %swap3A_419, %swap3A_420] : memref<4x1024x64xbf16, #tpu.memory_space<vmem>>, vector<1x1024x64xbf16>
    %swap3A_422 = vector.shape_cast %swap3A_421 : vector<1x1024x64xbf16> to vector<1024x64xbf16>
    %swap3A_423 = vector.shape_cast %convert_element_type3A_417 : vector<1024x64xbf16> to vector<1x1024x64xbf16>
    tpu.vector_store %arg8[%swap3A_418, %swap3A_419, %swap3A_420], %swap3A_423 {strides = array<i32>} : memref<4x1024x64xbf16, #tpu.memory_space<vmem>>, vector<1x1024x64xbf16>,
    %slice3A_424 = vector.extract_strided_slice %dot_general3A_17 {offsets = [0, 1216], sizes = [1024, 64], strides = [1, 1]} : vector<1024x1536xf32> to vector<1024x64xf32>
    %slice3A_425 = vector.extract_strided_slice %slice3A_424 {offsets = [0, 32], sizes = [1024, 32], strides = [1, 1]} : vector<1024x64xf32> to vector<1024x32xf32>
    %neg3A_426 = arith.constant 0.000000e+00 : f32
    %neg3A_427 = vector.broadcast %neg3A_426 : f32 to vector<1024x32xf32>
    %neg3A_428 = arith.subf %neg3A_427, %slice3A_425 : vector<1024x32xf32>
    %slice3A_429 = vector.extract_strided_slice %slice3A_424 {offsets = [0, 0], sizes = [1024, 32], strides = [1, 1]} : vector<1024x64xf32> to vector<1024x32xf32>
    %concatenate3A_430 = tpu.concatenate %neg3A_428, %slice3A_429 in 1 : vector<1024x32xf32>, vector<1024x32xf32> -> vector<1024x64xf32>
    %mul3A_431 = arith.mulf %slice3A_424, %get3A_20 : vector<1024x64xf32>
    %mul3A_432 = arith.mulf %concatenate3A_430, %get3A_23 : vector<1024x64xf32>
    %add3A_433 = arith.addf %mul3A_431, %mul3A_432 : vector<1024x64xf32>
    %mul3A_434 = arith.constant 1.000000e+00 : f32
    %mul3A_435 = vector.broadcast %mul3A_434 : f32 to vector<1024x64xf32>
    %mul3A_436 = arith.mulf %add3A_433, %mul3A_435 : vector<1024x64xf32>
    %convert_element_type3A_437 = arith.truncf %mul3A_436 : vector<1024x64xf32> to vector<1024x64xbf16>
    %swap3A_438 = arith.constant 3 : index
    %swap3A_439 = arith.constant 0 : index
    %swap3A_440 = arith.constant 0 : index
    %swap3A_441 = vector.load %arg7[%swap3A_438, %swap3A_439, %swap3A_440] : memref<4x1024x64xbf16, #tpu.memory_space<vmem>>, vector<1x1024x64xbf16>
    %swap3A_442 = vector.shape_cast %swap3A_441 : vector<1x1024x64xbf16> to vector<1024x64xbf16>
    %swap3A_443 = vector.shape_cast %convert_element_type3A_437 : vector<1024x64xbf16> to vector<1x1024x64xbf16>
    tpu.vector_store %arg7[%swap3A_438, %swap3A_439, %swap3A_440], %swap3A_443 {strides = array<i32>} : memref<4x1024x64xbf16, #tpu.memory_space<vmem>>, vector<1x1024x64xbf16>,
    %slice3A_444 = vector.extract_strided_slice %dot_general3A_17 {offsets = [0, 1472], sizes = [1024, 64], strides = [1, 1]} : vector<1024x1536xf32> to vector<1024x64xf32>
    %convert_element_type3A_445 = arith.truncf %slice3A_444 : vector<1024x64xf32> to vector<1024x64xbf16>
    %swap3A_446 = arith.constant 3 : index
    %swap3A_447 = arith.constant 0 : index
    %swap3A_448 = arith.constant 0 : index
    %swap3A_449 = vector.load %arg8[%swap3A_446, %swap3A_447, %swap3A_448] : memref<4x1024x64xbf16, #tpu.memory_space<vmem>>, vector<1x1024x64xbf16>
    %swap3A_450 = vector.shape_cast %swap3A_449 : vector<1x1024x64xbf16> to vector<1024x64xbf16>
    %swap3A_451 = vector.shape_cast %convert_element_type3A_445 : vector<1024x64xbf16> to vector<1x1024x64xbf16>
    tpu.vector_store %arg8[%swap3A_446, %swap3A_447, %swap3A_448], %swap3A_451 {strides = array<i32>} : memref<4x1024x64xbf16, #tpu.memory_space<vmem>>, vector<1x1024x64xbf16>,
    return
  }
  func.func @transform_0(%arg0: i32) -> (i32, i32) {
    %c0_i32 = arith.constant 0 : i32
    %c0_i32_0 = arith.constant 0 : i32
    return %arg0, %c0_i32 : i32, i32
  }
  func.func @transform_1(%arg0: i32) -> (i32, i32) {
    %c0_i32 = arith.constant 0 : i32
    %c0_i32_0 = arith.constant 0 : i32
    %c0_i32_1 = arith.constant 0 : i32
    return %c0_i32, %c0_i32_0 : i32, i32
  }
  func.func @transform_2(%arg0: i32) -> (i32, i32) {
    %c0_i32 = arith.constant 0 : i32
    %c0_i32_0 = arith.constant 0 : i32
    %c0_i32_1 = arith.constant 0 : i32
    return %c0_i32, %c0_i32_0 : i32, i32
  }
  func.func @transform_3(%arg0: i32) -> (i32, i32) {
    %c0_i32 = arith.constant 0 : i32
    %c0_i32_0 = arith.constant 0 : i32
    return %arg0, %c0_i32 : i32, i32
  }
  func.func @transform_4(%arg0: i32) -> (i32, i32) {
    %c0_i32 = arith.constant 0 : i32
    %c0_i32_0 = arith.constant 0 : i32
    return %arg0, %c0_i32 : i32, i32
  }
  func.func @transform_5(%arg0: i32) -> (i32, i32, i32) {
    %c0_i32 = arith.constant 0 : i32
    %c0_i32_0 = arith.constant 0 : i32
    %c0_i32_1 = arith.constant 0 : i32
    return %c0_i32, %arg0, %c0_i32_0 : i32, i32, i32
  }
  func.func @transform_6(%arg0: i32) -> (i32, i32, i32) {
    %c0_i32 = arith.constant 0 : i32
    %c0_i32_0 = arith.constant 0 : i32
    %c0_i32_1 = arith.constant 0 : i32
    return %c0_i32, %arg0, %c0_i32_0 : i32, i32, i32
  }
  func.func @transform_7(%arg0: i32) -> (i32, i32, i32) {
    %c0_i32 = arith.constant 0 : i32
    %c0_i32_0 = arith.constant 0 : i32
    %c0_i32_1 = arith.constant 0 : i32
    return %c0_i32, %arg0, %c0_i32_0 : i32, i32, i32
  }
}

module attributes {stable_mosaic.version = 14 : i64} {
  func.func @_attn_body(%arg0: i32, %arg1: i32, %arg2: memref<4x512x64xbf16, #tpu.memory_space<vmem>>, %arg3: memref<1x2048x64xbf16, #tpu.memory_space<vmem>>, %arg4: memref<1x2048x64xbf16, #tpu.memory_space<vmem>>, %arg5: memref<4x512x64xf32, #tpu.memory_space<vmem>>) attributes {dimension_semantics = [#tpu.dimension_semantics<arbitrary>, #tpu.dimension_semantics<arbitrary>], iteration_bounds = array<i64: 4, 4>, scalar_prefetch = 0 : i64, scratch_operands = 0 : i64, tpu.core_type = #tpu.core_type<tc>, window_params = [{transform_indices = @transform_0, window_bounds = array<i64: 4, 512, 64>}, {transform_indices = @transform_1, window_bounds = array<i64: 1, 2048, 64>}, {transform_indices = @transform_2, window_bounds = array<i64: 1, 2048, 64>}, {transform_indices = @transform_3, window_bounds = array<i64: 4, 512, 64>}]} {
    %get3A = arith.constant 0 : index
    %get3A_0 = arith.constant 0 : index
    %get3A_1 = arith.constant 0 : index
    %get3A_2 = vector.load %arg2[%get3A, %get3A_0, %get3A_1] : memref<4x512x64xbf16, #tpu.memory_space<vmem>>, vector<4x512x64xbf16>
    %reshape3A = vector.shape_cast %get3A_2 : vector<4x512x64xbf16> to vector<2048x64xbf16>
    %iota3A = tpu.iota {dimensions = array<i32: 0>} : vector<2048x1xi32>
    %rem3A = arith.constant 512 : i32
    %rem3A_3 = vector.broadcast %rem3A : i32 to vector<2048x1xi32>
    %rem3A_4 = arith.remsi %iota3A, %rem3A_3 : vector<2048x1xi32>
    %iota3A_5 = tpu.iota {dimensions = array<i32: 1>} : vector<1x512xi32>
    %broadcast_in_dim3A = arith.constant -1.000000e+30 : f32
    %broadcast_in_dim3A_6 = vector.broadcast %broadcast_in_dim3A : f32 to vector<2048x1xf32>
    %broadcast_in_dim3A_7 = arith.constant 0.000000e+00 : f32
    %broadcast_in_dim3A_8 = vector.broadcast %broadcast_in_dim3A_7 : f32 to vector<2048x1xf32>
    %broadcast_in_dim3A_9 = arith.constant 0.000000e+00 : f32
    %broadcast_in_dim3A_10 = vector.broadcast %broadcast_in_dim3A_9 : f32 to vector<2048x64xf32>
    %scan3A = arith.constant 0 : i32
    %scan3A_11 = arith.constant 3 : i32
    %scan3A_12 = arith.addi %scan3A, %scan3A_11 : i32
    %scan3A_13 = arith.constant 1 : i32
    %scan3A_14:3 = scf.for %scan3A_21 = %scan3A to %scan3A_12 step %scan3A_13 iter_args(%scan3A_22 = %broadcast_in_dim3A_6, %scan3A_23 = %broadcast_in_dim3A_8, %scan3A_24 = %broadcast_in_dim3A_10) -> (vector<2048x1xf32>, vector<2048x1xf32>, vector<2048x64xf32>)  : i32 {
      %sub3A = arith.constant 2 : i32
      %sub3A_25 = arith.subi %arg1, %sub3A : i32
      %add3A = arith.addi %sub3A_25, %scan3A_21 : i32
      %mul3A = arith.constant 512 : i32
      %mul3A_26 = arith.muli %add3A, %mul3A : i32
      %max3A = arith.constant 0 : i32
      %max3A_27 = arith.maxsi %mul3A_26, %max3A : i32
      %multiple_of3A = tpu.assume_multiple %max3A_27, 512 : i32
      %get3A_28 = arith.constant 0 : index
      %get3A_29 = arith.index_cast %multiple_of3A : i32 to index
      %get3A_30 = arith.constant 0 : index
      %get3A_31 = vector.load %arg3[%get3A_28, %get3A_29, %get3A_30] : memref<1x2048x64xbf16, #tpu.memory_space<vmem>>, vector<1x512x64xbf16>
      %get3A_32 = vector.shape_cast %get3A_31 : vector<1x512x64xbf16> to vector<512x64xbf16>
      %get3A_33 = arith.constant 0 : index
      %get3A_34 = arith.index_cast %multiple_of3A : i32 to index
      %get3A_35 = arith.constant 0 : index
      %get3A_36 = vector.load %arg4[%get3A_33, %get3A_34, %get3A_35] : memref<1x2048x64xbf16, #tpu.memory_space<vmem>>, vector<1x512x64xbf16>
      %get3A_37 = vector.shape_cast %get3A_36 : vector<1x512x64xbf16> to vector<512x64xbf16>
      %dot_general3A = arith.constant dense<0.000000e+00> : vector<2048x512xf32>
      %dot_general3A_38 = tpu.matmul %reshape3A, %get3A_32, %dot_general3A {dimension_numbers = #tpu.dot_dimension_numbers<[1], [1], [0], [0], [0, 0, 1, 0], [], []>, transpose_lhs_hint = false} : vector<2048x64xbf16>, vector<512x64xbf16>, vector<2048x512xf32> -> vector<2048x512xf32>
      %mul3A_39 = arith.constant 512 : i32
      %mul3A_40 = arith.muli %add3A, %mul3A_39 : i32
      %add3A_41 = vector.broadcast %mul3A_40 : i32 to vector<1x512xi32>
      %add3A_42 = arith.addi %add3A_41, %iota3A_5 : vector<1x512xi32>
      %mul3A_43 = arith.constant 512 : i32
      %mul3A_44 = arith.muli %arg1, %mul3A_43 : i32
      %add3A_45 = vector.broadcast %mul3A_44 : i32 to vector<2048x1xi32>
      %add3A_46 = arith.addi %add3A_45, %rem3A_4 : vector<2048x1xi32>
      %le3A = vector.broadcast %add3A_42 : vector<1x512xi32> to vector<2048x512xi32>
      %le3A_47 = vector.broadcast %add3A_46 : vector<2048x1xi32> to vector<2048x512xi32>
      %le3A_48 = arith.cmpi sle, %le3A, %le3A_47 : vector<2048x512xi32>
      %sub3A_49 = vector.broadcast %add3A_46 : vector<2048x1xi32> to vector<2048x512xi32>
      %sub3A_50 = vector.broadcast %add3A_42 : vector<1x512xi32> to vector<2048x512xi32>
      %sub3A_51 = arith.subi %sub3A_49, %sub3A_50 : vector<2048x512xi32>
      %le3A_52 = arith.constant 1024 : i32
      %le3A_53 = vector.broadcast %le3A_52 : i32 to vector<2048x512xi32>
      %le3A_54 = arith.cmpi sle, %sub3A_51, %le3A_53 : vector<2048x512xi32>
      %and3A = arith.andi %le3A_48, %le3A_54 : vector<2048x512xi1>
      %ge3A = arith.constant 0 : i32
      %ge3A_55 = arith.cmpi sge, %add3A, %ge3A : i32
      %and3A_56 = vector.broadcast %ge3A_55 : i1 to vector<2048x512xi1>
      %and3A_57 = arith.andi %and3A, %and3A_56 : vector<2048x512xi1>
      %jit3A = arith.constant -1.000000e+30 : f32
      %broadcast_in_dim3A_58 = vector.broadcast %jit3A : f32 to vector<2048x512xf32>
      %select_n3A = arith.select %and3A_57, %dot_general3A_38, %broadcast_in_dim3A_58 : vector<2048x512xi1>, vector<2048x512xf32>
      %reduce_max3A = arith.constant dense<0xFF800000> : vector<2048xf32>
      %reduce_max3A_59 = vector.multi_reduction <maximumf>, %select_n3A, %reduce_max3A [1] : vector<2048x512xf32> to vector<2048xf32>
      %broadcast_in_dim3A_60 = vector.shape_cast %reduce_max3A_59 : vector<2048xf32> to vector<2048x1xf32>
      %max3A_61 = arith.maximumf %scan3A_22, %broadcast_in_dim3A_60 : vector<2048x1xf32>
      %sub3A_62 = vector.broadcast %max3A_61 : vector<2048x1xf32> to vector<2048x512xf32>
      %sub3A_63 = arith.subf %select_n3A, %sub3A_62 : vector<2048x512xf32>
      %exp3A = math.exp %sub3A_63 : vector<2048x512xf32>
      %jit3A_64 = arith.constant 0.000000e+00 : f32
      %broadcast_in_dim3A_65 = vector.broadcast %jit3A_64 : f32 to vector<2048x512xf32>
      %select_n3A_66 = arith.select %and3A_57, %exp3A, %broadcast_in_dim3A_65 : vector<2048x512xi1>, vector<2048x512xf32>
      %sub3A_67 = arith.subf %scan3A_22, %max3A_61 : vector<2048x1xf32>
      %exp3A_68 = math.exp %sub3A_67 : vector<2048x1xf32>
      %mul3A_69 = arith.mulf %scan3A_23, %exp3A_68 : vector<2048x1xf32>
      %reduce_sum3A = arith.constant dense<0.000000e+00> : vector<2048xf32>
      %reduce_sum3A_70 = vector.multi_reduction <add>, %select_n3A_66, %reduce_sum3A [1] : vector<2048x512xf32> to vector<2048xf32>
      %broadcast_in_dim3A_71 = vector.shape_cast %reduce_sum3A_70 : vector<2048xf32> to vector<2048x1xf32>
      %add3A_72 = arith.addf %mul3A_69, %broadcast_in_dim3A_71 : vector<2048x1xf32>
      %mul3A_73 = vector.broadcast %exp3A_68 : vector<2048x1xf32> to vector<2048x64xf32>
      %mul3A_74 = arith.mulf %scan3A_24, %mul3A_73 : vector<2048x64xf32>
      %convert_element_type3A = arith.truncf %select_n3A_66 : vector<2048x512xf32> to vector<2048x512xbf16>
      %dot_general3A_75 = arith.constant dense<0.000000e+00> : vector<2048x64xf32>
      %dot_general3A_76 = tpu.matmul %convert_element_type3A, %get3A_37, %dot_general3A_75 {dimension_numbers = #tpu.dot_dimension_numbers<[1], [0], [0], [1], [0, 0, 1, 1], [], []>, transpose_lhs_hint = false} : vector<2048x512xbf16>, vector<512x64xbf16>, vector<2048x64xf32> -> vector<2048x64xf32>
      %add3A_77 = arith.addf %mul3A_74, %dot_general3A_76 : vector<2048x64xf32>
      scf.yield %max3A_61, %add3A_72, %add3A_77 : vector<2048x1xf32>, vector<2048x1xf32>, vector<2048x64xf32>
    }
    %scan3A_15 = arith.constant 3 : i32
    %div3A = vector.broadcast %scan3A_14#1 : vector<2048x1xf32> to vector<2048x64xf32>
    %div3A_16 = arith.divf %scan3A_14#2, %div3A : vector<2048x64xf32>
    %reshape3A_17 = vector.shape_cast %div3A_16 : vector<2048x64xf32> to vector<4x512x64xf32>
    %swap3A = arith.constant 0 : index
    %swap3A_18 = arith.constant 0 : index
    %swap3A_19 = arith.constant 0 : index
    %swap3A_20 = vector.load %arg5[%swap3A, %swap3A_18, %swap3A_19] : memref<4x512x64xf32, #tpu.memory_space<vmem>>, vector<4x512x64xf32>
    tpu.vector_store %arg5[%swap3A, %swap3A_18, %swap3A_19], %reshape3A_17 {strides = array<i32>} : memref<4x512x64xf32, #tpu.memory_space<vmem>>, vector<4x512x64xf32>,
    return
  }
  func.func @transform_0(%arg0: i32, %arg1: i32) -> (i32, i32, i32) {
    %c0_i32 = arith.constant 0 : i32
    %c0_i32_0 = arith.constant 0 : i32
    return %arg0, %arg1, %c0_i32 : i32, i32, i32
  }
  func.func @transform_1(%arg0: i32, %arg1: i32) -> (i32, i32, i32) {
    %c0_i32 = arith.constant 0 : i32
    %c0_i32_0 = arith.constant 0 : i32
    %c0_i32_1 = arith.constant 0 : i32
    return %arg0, %c0_i32, %c0_i32_0 : i32, i32, i32
  }
  func.func @transform_2(%arg0: i32, %arg1: i32) -> (i32, i32, i32) {
    %c0_i32 = arith.constant 0 : i32
    %c0_i32_0 = arith.constant 0 : i32
    %c0_i32_1 = arith.constant 0 : i32
    return %arg0, %c0_i32, %c0_i32_0 : i32, i32, i32
  }
  func.func @transform_3(%arg0: i32, %arg1: i32) -> (i32, i32, i32) {
    %c0_i32 = arith.constant 0 : i32
    %c0_i32_0 = arith.constant 0 : i32
    return %arg0, %arg1, %c0_i32 : i32, i32, i32
  }
}

module attributes {stable_mosaic.version = 14 : i64} {
  func.func @_proj_body(%arg0: i32, %arg1: memref<16x512x64xf32, #tpu.memory_space<vmem>>, %arg2: memref<1024x1024xbf16, #tpu.memory_space<vmem>>, %arg3: memref<512x1024xf32, #tpu.memory_space<vmem>>, %arg4: memref<512x1024xf32, #tpu.memory_space<vmem>>) attributes {dimension_semantics = [#tpu.dimension_semantics<arbitrary>], iteration_bounds = array<i64: 4>, scalar_prefetch = 0 : i64, scratch_operands = 0 : i64, tpu.core_type = #tpu.core_type<tc>, window_params = [{transform_indices = @transform_0, window_bounds = array<i64: 16, 512, 64>}, {pipeline_mode = #tpu.pipeline_mode<synchronous>, transform_indices = @transform_1, window_bounds = array<i64: 1024, 1024>}, {transform_indices = @transform_2, window_bounds = array<i64: 512, 1024>}, {transform_indices = @transform_3, window_bounds = array<i64: 512, 1024>}]} {
    %get3A = arith.constant 0 : index
    %get3A_0 = arith.constant 0 : index
    %get3A_1 = arith.constant 0 : index
    %get3A_2 = vector.load %arg1[%get3A, %get3A_0, %get3A_1] : memref<16x512x64xf32, #tpu.memory_space<vmem>>, vector<16x512x64xf32>
    %slice3A = vector.extract_strided_slice %get3A_2 {offsets = [0, 0, 0], sizes = [1, 512, 64], strides = [1, 1, 1]} : vector<16x512x64xf32> to vector<1x512x64xf32>
    %squeeze3A = vector.shape_cast %slice3A : vector<1x512x64xf32> to vector<512x64xf32>
    %slice3A_3 = vector.extract_strided_slice %get3A_2 {offsets = [1, 0, 0], sizes = [1, 512, 64], strides = [1, 1, 1]} : vector<16x512x64xf32> to vector<1x512x64xf32>
    %squeeze3A_4 = vector.shape_cast %slice3A_3 : vector<1x512x64xf32> to vector<512x64xf32>
    %slice3A_5 = vector.extract_strided_slice %get3A_2 {offsets = [2, 0, 0], sizes = [1, 512, 64], strides = [1, 1, 1]} : vector<16x512x64xf32> to vector<1x512x64xf32>
    %squeeze3A_6 = vector.shape_cast %slice3A_5 : vector<1x512x64xf32> to vector<512x64xf32>
    %slice3A_7 = vector.extract_strided_slice %get3A_2 {offsets = [3, 0, 0], sizes = [1, 512, 64], strides = [1, 1, 1]} : vector<16x512x64xf32> to vector<1x512x64xf32>
    %squeeze3A_8 = vector.shape_cast %slice3A_7 : vector<1x512x64xf32> to vector<512x64xf32>
    %slice3A_9 = vector.extract_strided_slice %get3A_2 {offsets = [4, 0, 0], sizes = [1, 512, 64], strides = [1, 1, 1]} : vector<16x512x64xf32> to vector<1x512x64xf32>
    %squeeze3A_10 = vector.shape_cast %slice3A_9 : vector<1x512x64xf32> to vector<512x64xf32>
    %slice3A_11 = vector.extract_strided_slice %get3A_2 {offsets = [5, 0, 0], sizes = [1, 512, 64], strides = [1, 1, 1]} : vector<16x512x64xf32> to vector<1x512x64xf32>
    %squeeze3A_12 = vector.shape_cast %slice3A_11 : vector<1x512x64xf32> to vector<512x64xf32>
    %slice3A_13 = vector.extract_strided_slice %get3A_2 {offsets = [6, 0, 0], sizes = [1, 512, 64], strides = [1, 1, 1]} : vector<16x512x64xf32> to vector<1x512x64xf32>
    %squeeze3A_14 = vector.shape_cast %slice3A_13 : vector<1x512x64xf32> to vector<512x64xf32>
    %slice3A_15 = vector.extract_strided_slice %get3A_2 {offsets = [7, 0, 0], sizes = [1, 512, 64], strides = [1, 1, 1]} : vector<16x512x64xf32> to vector<1x512x64xf32>
    %squeeze3A_16 = vector.shape_cast %slice3A_15 : vector<1x512x64xf32> to vector<512x64xf32>
    %slice3A_17 = vector.extract_strided_slice %get3A_2 {offsets = [8, 0, 0], sizes = [1, 512, 64], strides = [1, 1, 1]} : vector<16x512x64xf32> to vector<1x512x64xf32>
    %squeeze3A_18 = vector.shape_cast %slice3A_17 : vector<1x512x64xf32> to vector<512x64xf32>
    %slice3A_19 = vector.extract_strided_slice %get3A_2 {offsets = [9, 0, 0], sizes = [1, 512, 64], strides = [1, 1, 1]} : vector<16x512x64xf32> to vector<1x512x64xf32>
    %squeeze3A_20 = vector.shape_cast %slice3A_19 : vector<1x512x64xf32> to vector<512x64xf32>
    %slice3A_21 = vector.extract_strided_slice %get3A_2 {offsets = [10, 0, 0], sizes = [1, 512, 64], strides = [1, 1, 1]} : vector<16x512x64xf32> to vector<1x512x64xf32>
    %squeeze3A_22 = vector.shape_cast %slice3A_21 : vector<1x512x64xf32> to vector<512x64xf32>
    %slice3A_23 = vector.extract_strided_slice %get3A_2 {offsets = [11, 0, 0], sizes = [1, 512, 64], strides = [1, 1, 1]} : vector<16x512x64xf32> to vector<1x512x64xf32>
    %squeeze3A_24 = vector.shape_cast %slice3A_23 : vector<1x512x64xf32> to vector<512x64xf32>
    %slice3A_25 = vector.extract_strided_slice %get3A_2 {offsets = [12, 0, 0], sizes = [1, 512, 64], strides = [1, 1, 1]} : vector<16x512x64xf32> to vector<1x512x64xf32>
    %squeeze3A_26 = vector.shape_cast %slice3A_25 : vector<1x512x64xf32> to vector<512x64xf32>
    %slice3A_27 = vector.extract_strided_slice %get3A_2 {offsets = [13, 0, 0], sizes = [1, 512, 64], strides = [1, 1, 1]} : vector<16x512x64xf32> to vector<1x512x64xf32>
    %squeeze3A_28 = vector.shape_cast %slice3A_27 : vector<1x512x64xf32> to vector<512x64xf32>
    %slice3A_29 = vector.extract_strided_slice %get3A_2 {offsets = [14, 0, 0], sizes = [1, 512, 64], strides = [1, 1, 1]} : vector<16x512x64xf32> to vector<1x512x64xf32>
    %squeeze3A_30 = vector.shape_cast %slice3A_29 : vector<1x512x64xf32> to vector<512x64xf32>
    %slice3A_31 = vector.extract_strided_slice %get3A_2 {offsets = [15, 0, 0], sizes = [1, 512, 64], strides = [1, 1, 1]} : vector<16x512x64xf32> to vector<1x512x64xf32>
    %squeeze3A_32 = vector.shape_cast %slice3A_31 : vector<1x512x64xf32> to vector<512x64xf32>
    %concatenate3A = tpu.concatenate %squeeze3A, %squeeze3A_4, %squeeze3A_6, %squeeze3A_8, %squeeze3A_10, %squeeze3A_12, %squeeze3A_14, %squeeze3A_16, %squeeze3A_18, %squeeze3A_20, %squeeze3A_22, %squeeze3A_24, %squeeze3A_26, %squeeze3A_28, %squeeze3A_30, %squeeze3A_32 in 1 : vector<512x64xf32>, vector<512x64xf32>, vector<512x64xf32>, vector<512x64xf32>, vector<512x64xf32>, vector<512x64xf32>, vector<512x64xf32>, vector<512x64xf32>, vector<512x64xf32>, vector<512x64xf32>, vector<512x64xf32>, vector<512x64xf32>, vector<512x64xf32>, vector<512x64xf32>, vector<512x64xf32>, vector<512x64xf32> -> vector<512x1024xf32>
    %get3A_33 = arith.constant 0 : index
    %get3A_34 = arith.constant 0 : index
    %get3A_35 = vector.load %arg3[%get3A_33, %get3A_34] : memref<512x1024xf32, #tpu.memory_space<vmem>>, vector<512x1024xf32>
    %convert_element_type3A = arith.truncf %concatenate3A : vector<512x1024xf32> to vector<512x1024xbf16>
    %get3A_36 = arith.constant 0 : index
    %get3A_37 = arith.constant 0 : index
    %get3A_38 = vector.load %arg2[%get3A_36, %get3A_37] : memref<1024x1024xbf16, #tpu.memory_space<vmem>>, vector<1024x1024xbf16>
    %dot_general3A = arith.constant dense<0.000000e+00> : vector<512x1024xf32>
    %dot_general3A_39 = tpu.matmul %convert_element_type3A, %get3A_38, %dot_general3A {dimension_numbers = #tpu.dot_dimension_numbers<[1], [0], [0], [1], [0, 0, 1, 1], [], []>, transpose_lhs_hint = false} : vector<512x1024xbf16>, vector<1024x1024xbf16>, vector<512x1024xf32> -> vector<512x1024xf32>
    %add3A = arith.addf %get3A_35, %dot_general3A_39 : vector<512x1024xf32>
    %swap3A = arith.constant 0 : index
    %swap3A_40 = arith.constant 0 : index
    %swap3A_41 = vector.load %arg4[%swap3A, %swap3A_40] : memref<512x1024xf32, #tpu.memory_space<vmem>>, vector<512x1024xf32>
    tpu.vector_store %arg4[%swap3A, %swap3A_40], %add3A {strides = array<i32>} : memref<512x1024xf32, #tpu.memory_space<vmem>>, vector<512x1024xf32>,
    return
  }
  func.func @transform_0(%arg0: i32) -> (i32, i32, i32) {
    %c0_i32 = arith.constant 0 : i32
    %c0_i32_0 = arith.constant 0 : i32
    %c0_i32_1 = arith.constant 0 : i32
    return %c0_i32, %arg0, %c0_i32_0 : i32, i32, i32
  }
  func.func @transform_1(%arg0: i32) -> (i32, i32) {
    %c0_i32 = arith.constant 0 : i32
    %c0_i32_0 = arith.constant 0 : i32
    %c0_i32_1 = arith.constant 0 : i32
    return %c0_i32, %c0_i32_0 : i32, i32
  }
  func.func @transform_2(%arg0: i32) -> (i32, i32) {
    %c0_i32 = arith.constant 0 : i32
    %c0_i32_0 = arith.constant 0 : i32
    return %arg0, %c0_i32 : i32, i32
  }
  func.func @transform_3(%arg0: i32) -> (i32, i32) {
    %c0_i32 = arith.constant 0 : i32
    %c0_i32_0 = arith.constant 0 : i32
    return %arg0, %c0_i32 : i32, i32
  }
}

module attributes {stable_mosaic.version = 14 : i64} {
  func.func @_route_body(%arg0: i32, %arg1: memref<2048x1024xf32, #tpu.memory_space<vmem>>, %arg2: memref<1x1024xf32, #tpu.memory_space<vmem>>, %arg3: memref<1024x128xf32, #tpu.memory_space<vmem>>, %arg4: memref<2048x1024xf32, #tpu.memory_space<vmem>>, %arg5: memref<4096x1xi32, #tpu.memory_space<vmem>>, %arg6: memref<4096x1xf32, #tpu.memory_space<vmem>>, %arg7: memref<1x128xi32, #tpu.memory_space<vmem>>, %arg8: memref<1x128xi32, #tpu.memory_space<vmem>>, %arg9: memref<4096x128xf32, #tpu.memory_space<vmem>>, %arg10: memref<4096x128xf32, #tpu.memory_space<vmem>>) attributes {dimension_semantics = [#tpu.dimension_semantics<arbitrary>], iteration_bounds = array<i64: 1>, scalar_prefetch = 0 : i64, scratch_operands = 2 : i64, tpu.core_type = #tpu.core_type<tc>, window_params = [{pipeline_mode = #tpu.pipeline_mode<synchronous>, transform_indices = @transform_0, window_bounds = array<i64: 2048, 1024>}, {pipeline_mode = #tpu.pipeline_mode<synchronous>, transform_indices = @transform_1, window_bounds = array<i64: 1, 1024>}, {pipeline_mode = #tpu.pipeline_mode<synchronous>, transform_indices = @transform_2, window_bounds = array<i64: 1024, 128>}, {pipeline_mode = #tpu.pipeline_mode<synchronous>, transform_indices = @transform_3, window_bounds = array<i64: 2048, 1024>}, {pipeline_mode = #tpu.pipeline_mode<synchronous>, transform_indices = @transform_4, window_bounds = array<i64: 4096, 1>}, {pipeline_mode = #tpu.pipeline_mode<synchronous>, transform_indices = @transform_5, window_bounds = array<i64: 4096, 1>}, {pipeline_mode = #tpu.pipeline_mode<synchronous>, transform_indices = @transform_6, window_bounds = array<i64: 1, 128>}, {pipeline_mode = #tpu.pipeline_mode<synchronous>, transform_indices = @transform_7, window_bounds = array<i64: 1, 128>}]} {
    %get3A = arith.constant 0 : index
    %get3A_0 = arith.constant 0 : index
    %get3A_1 = vector.load %arg1[%get3A, %get3A_0] : memref<2048x1024xf32, #tpu.memory_space<vmem>>, vector<2048x1024xf32>
    %mul3A = arith.mulf %get3A_1, %get3A_1 : vector<2048x1024xf32>
    %reduce_sum3A = arith.constant dense<0.000000e+00> : vector<2048xf32>
    %reduce_sum3A_2 = vector.multi_reduction <add>, %mul3A, %reduce_sum3A [1] : vector<2048x1024xf32> to vector<2048xf32>
    %broadcast_in_dim3A = vector.shape_cast %reduce_sum3A_2 : vector<2048xf32> to vector<2048x1xf32>
    %div3A = arith.constant 1.024000e+03 : f32
    %div3A_3 = vector.broadcast %div3A : f32 to vector<2048x1xf32>
    %div3A_4 = arith.divf %broadcast_in_dim3A, %div3A_3 : vector<2048x1xf32>
    %add3A = arith.constant 9.99999974E-6 : f32
    %add3A_5 = vector.broadcast %add3A : f32 to vector<2048x1xf32>
    %add3A_6 = arith.addf %div3A_4, %add3A_5 : vector<2048x1xf32>
    %rsqrt3A = math.rsqrt %add3A_6 : vector<2048x1xf32>
    %mul3A_7 = vector.broadcast %rsqrt3A : vector<2048x1xf32> to vector<2048x1024xf32>
    %mul3A_8 = arith.mulf %get3A_1, %mul3A_7 : vector<2048x1024xf32>
    %get3A_9 = arith.constant 0 : index
    %get3A_10 = arith.constant 0 : index
    %get3A_11 = vector.load %arg2[%get3A_9, %get3A_10] : memref<1x1024xf32, #tpu.memory_space<vmem>>, vector<1x1024xf32>
    %mul3A_12 = vector.broadcast %get3A_11 : vector<1x1024xf32> to vector<2048x1024xf32>
    %mul3A_13 = arith.mulf %mul3A_8, %mul3A_12 : vector<2048x1024xf32>
    %swap3A = arith.constant 0 : index
    %swap3A_14 = arith.constant 0 : index
    %swap3A_15 = vector.load %arg4[%swap3A, %swap3A_14] : memref<2048x1024xf32, #tpu.memory_space<vmem>>, vector<2048x1024xf32>
    tpu.vector_store %arg4[%swap3A, %swap3A_14], %mul3A_13 {strides = array<i32>} : memref<2048x1024xf32, #tpu.memory_space<vmem>>, vector<2048x1024xf32>,
    %get3A_16 = arith.constant 0 : index
    %get3A_17 = arith.constant 0 : index
    %get3A_18 = vector.load %arg3[%get3A_16, %get3A_17] : memref<1024x128xf32, #tpu.memory_space<vmem>>, vector<1024x128xf32>
    %dot_general3A = arith.constant dense<0.000000e+00> : vector<2048x128xf32>
    %dot_general3A_19 = tpu.matmul %mul3A_13, %get3A_18, %dot_general3A {dimension_numbers = #tpu.dot_dimension_numbers<[1], [0], [0], [1], [0, 0, 1, 1], [], []>, transpose_lhs_hint = false} : vector<2048x1024xf32>, vector<1024x128xf32>, vector<2048x128xf32> -> vector<2048x128xf32>
    %iota3A = tpu.iota {dimensions = array<i32: 1>} : vector<2048x128xi32>
    %lt3A = arith.constant 8 : i32
    %lt3A_20 = vector.broadcast %lt3A : i32 to vector<2048x128xi32>
    %lt3A_21 = arith.cmpi slt, %iota3A, %lt3A_20 : vector<2048x128xi32>
    %jit3A = arith.constant -1.000000e+30 : f32
    %broadcast_in_dim3A_22 = vector.broadcast %jit3A : f32 to vector<2048x128xf32>
    %select_n3A = arith.select %lt3A_21, %dot_general3A_19, %broadcast_in_dim3A_22 : vector<2048x128xi1>, vector<2048x128xf32>
    %reduce_max3A = arith.constant dense<0xFF800000> : vector<2048xf32>
    %reduce_max3A_23 = vector.multi_reduction <maximumf>, %select_n3A, %reduce_max3A [1] : vector<2048x128xf32> to vector<2048xf32>
    %broadcast_in_dim3A_24 = vector.shape_cast %reduce_max3A_23 : vector<2048xf32> to vector<2048x1xf32>
    %eq3A = vector.broadcast %broadcast_in_dim3A_24 : vector<2048x1xf32> to vector<2048x128xf32>
    %eq3A_25 = arith.cmpf oeq, %select_n3A, %eq3A : vector<2048x128xf32>
    %jit3A_26 = arith.constant 128 : i32
    %broadcast_in_dim3A_27 = vector.broadcast %jit3A_26 : i32 to vector<2048x128xi32>
    %select_n3A_28 = arith.select %eq3A_25, %iota3A, %broadcast_in_dim3A_27 : vector<2048x128xi1>, vector<2048x128xi32>
    %reduce_min3A = arith.constant dense<2147483647> : vector<2048xi32>
    %reduce_min3A_29 = vector.multi_reduction <minsi>, %select_n3A_28, %reduce_min3A [1] : vector<2048x128xi32> to vector<2048xi32>
    %broadcast_in_dim3A_30 = vector.shape_cast %reduce_min3A_29 : vector<2048xi32> to vector<2048x1xi32>
    %eq3A_31 = vector.broadcast %broadcast_in_dim3A_30 : vector<2048x1xi32> to vector<2048x128xi32>
    %eq3A_32 = arith.cmpi eq, %iota3A, %eq3A_31 : vector<2048x128xi32>
    %jit3A_33 = arith.constant -1.000000e+30 : f32
    %broadcast_in_dim3A_34 = vector.broadcast %jit3A_33 : f32 to vector<2048x128xf32>
    %select_n3A_35 = arith.select %eq3A_32, %broadcast_in_dim3A_34, %select_n3A : vector<2048x128xi1>, vector<2048x128xf32>
    %reduce_max3A_36 = arith.constant dense<0xFF800000> : vector<2048xf32>
    %reduce_max3A_37 = vector.multi_reduction <maximumf>, %select_n3A_35, %reduce_max3A_36 [1] : vector<2048x128xf32> to vector<2048xf32>
    %broadcast_in_dim3A_38 = vector.shape_cast %reduce_max3A_37 : vector<2048xf32> to vector<2048x1xf32>
    %eq3A_39 = vector.broadcast %broadcast_in_dim3A_38 : vector<2048x1xf32> to vector<2048x128xf32>
    %eq3A_40 = arith.cmpf oeq, %select_n3A_35, %eq3A_39 : vector<2048x128xf32>
    %jit3A_41 = arith.constant 128 : i32
    %broadcast_in_dim3A_42 = vector.broadcast %jit3A_41 : i32 to vector<2048x128xi32>
    %select_n3A_43 = arith.select %eq3A_40, %iota3A, %broadcast_in_dim3A_42 : vector<2048x128xi1>, vector<2048x128xi32>
    %reduce_min3A_44 = arith.constant dense<2147483647> : vector<2048xi32>
    %reduce_min3A_45 = vector.multi_reduction <minsi>, %select_n3A_43, %reduce_min3A_44 [1] : vector<2048x128xi32> to vector<2048xi32>
    %broadcast_in_dim3A_46 = vector.shape_cast %reduce_min3A_45 : vector<2048xi32> to vector<2048x1xi32>
    %sub3A = arith.subf %broadcast_in_dim3A_38, %broadcast_in_dim3A_24 : vector<2048x1xf32>
    %exp3A = math.exp %sub3A : vector<2048x1xf32>
    %add3A_47 = arith.constant 1.000000e+00 : f32
    %add3A_48 = vector.broadcast %add3A_47 : f32 to vector<2048x1xf32>
    %add3A_49 = arith.addf %add3A_48, %exp3A : vector<2048x1xf32>
    %div3A_50 = arith.constant 1.000000e+00 : f32
    %div3A_51 = vector.broadcast %div3A_50 : f32 to vector<2048x1xf32>
    %div3A_52 = arith.divf %div3A_51, %add3A_49 : vector<2048x1xf32>
    %sub3A_53 = arith.constant 1.000000e+00 : f32
    %sub3A_54 = vector.broadcast %sub3A_53 : f32 to vector<2048x1xf32>
    %sub3A_55 = arith.subf %sub3A_54, %div3A_52 : vector<2048x1xf32>
    %swap3A_56 = arith.constant 0 : index
    %swap3A_57 = arith.constant 0 : index
    %swap3A_58 = vector.load %arg6[%swap3A_56, %swap3A_57] : memref<4096x1xf32, #tpu.memory_space<vmem>>, vector<2048x1xf32>
    tpu.vector_store %arg6[%swap3A_56, %swap3A_57], %div3A_52 {strides = array<i32>} : memref<4096x1xf32, #tpu.memory_space<vmem>>, vector<2048x1xf32>,
    %swap3A_59 = arith.constant 2048 : index
    %swap3A_60 = arith.constant 0 : index
    %swap3A_61 = vector.load %arg6[%swap3A_59, %swap3A_60] : memref<4096x1xf32, #tpu.memory_space<vmem>>, vector<2048x1xf32>
    tpu.vector_store %arg6[%swap3A_59, %swap3A_60], %sub3A_55 {strides = array<i32>} : memref<4096x1xf32, #tpu.memory_space<vmem>>, vector<2048x1xf32>,
    %eq3A_62 = vector.broadcast %broadcast_in_dim3A_30 : vector<2048x1xi32> to vector<2048x128xi32>
    %eq3A_63 = arith.cmpi eq, %iota3A, %eq3A_62 : vector<2048x128xi32>
    %convert_element_type3A = arith.extui %eq3A_63 : vector<2048x128xi1> to vector<2048x128xi32>
    %convert_element_type3A_64 = arith.sitofp %convert_element_type3A : vector<2048x128xi32> to vector<2048x128xf32>
    %swap3A_65 = arith.constant 0 : index
    %swap3A_66 = arith.constant 0 : index
    %swap3A_67 = vector.load %arg9[%swap3A_65, %swap3A_66] : memref<4096x128xf32, #tpu.memory_space<vmem>>, vector<2048x128xf32>
    tpu.vector_store %arg9[%swap3A_65, %swap3A_66], %convert_element_type3A_64 {strides = array<i32>} : memref<4096x128xf32, #tpu.memory_space<vmem>>, vector<2048x128xf32>,
    %eq3A_68 = vector.broadcast %broadcast_in_dim3A_46 : vector<2048x1xi32> to vector<2048x128xi32>
    %eq3A_69 = arith.cmpi eq, %iota3A, %eq3A_68 : vector<2048x128xi32>
    %convert_element_type3A_70 = arith.extui %eq3A_69 : vector<2048x128xi1> to vector<2048x128xi32>
    %convert_element_type3A_71 = arith.sitofp %convert_element_type3A_70 : vector<2048x128xi32> to vector<2048x128xf32>
    %swap3A_72 = arith.constant 2048 : index
    %swap3A_73 = arith.constant 0 : index
    %swap3A_74 = vector.load %arg9[%swap3A_72, %swap3A_73] : memref<4096x128xf32, #tpu.memory_space<vmem>>, vector<2048x128xf32>
    tpu.vector_store %arg9[%swap3A_72, %swap3A_73], %convert_element_type3A_71 {strides = array<i32>} : memref<4096x128xf32, #tpu.memory_space<vmem>>, vector<2048x128xf32>,
    %get3A_75 = arith.constant 0 : index
    %get3A_76 = arith.constant 0 : index
    %get3A_77 = vector.load %arg9[%get3A_75, %get3A_76] : memref<4096x128xf32, #tpu.memory_space<vmem>>, vector<4096x128xf32>
    %reduce_sum3A_78 = arith.constant dense<0.000000e+00> : vector<128xf32>
    %reduce_sum3A_79 = vector.multi_reduction <add>, %get3A_77, %reduce_sum3A_78 [0] : vector<4096x128xf32> to vector<128xf32>
    %broadcast_in_dim3A_80 = vector.shape_cast %reduce_sum3A_79 : vector<128xf32> to vector<1x128xf32>
    %add3A_81 = arith.constant 2.550000e+02 : f32
    %add3A_82 = vector.broadcast %add3A_81 : f32 to vector<1x128xf32>
    %add3A_83 = arith.addf %broadcast_in_dim3A_80, %add3A_82 : vector<1x128xf32>
    %mul3A_84 = arith.constant 3.906250e-03 : f32
    %mul3A_85 = vector.broadcast %mul3A_84 : f32 to vector<1x128xf32>
    %mul3A_86 = arith.mulf %add3A_83, %mul3A_85 : vector<1x128xf32>
    %floor3A = math.floor %mul3A_86 : vector<1x128xf32>
    %mul3A_87 = arith.constant 2.560000e+02 : f32
    %mul3A_88 = vector.broadcast %mul3A_87 : f32 to vector<1x128xf32>
    %mul3A_89 = arith.mulf %floor3A, %mul3A_88 : vector<1x128xf32>
    %iota3A_90 = tpu.iota {dimensions = array<i32: 0>} : vector<128x128xi32>
    %iota3A_91 = tpu.iota {dimensions = array<i32: 1>} : vector<128x128xi32>
    %le3A = arith.cmpi sle, %iota3A_90, %iota3A_91 : vector<128x128xi32>
    %convert_element_type3A_92 = arith.extui %le3A : vector<128x128xi1> to vector<128x128xi32>
    %convert_element_type3A_93 = arith.sitofp %convert_element_type3A_92 : vector<128x128xi32> to vector<128x128xf32>
    %dot_general3A_94 = arith.constant dense<0.000000e+00> : vector<1x128xf32>
    %dot_general3A_95 = tpu.matmul %mul3A_89, %convert_element_type3A_93, %dot_general3A_94 {dimension_numbers = #tpu.dot_dimension_numbers<[1], [0], [0], [1], [0, 0, 1, 1], [], []>, transpose_lhs_hint = false} : vector<1x128xf32>, vector<128x128xf32>, vector<1x128xf32> -> vector<1x128xf32>
    %sub3A_96 = arith.subf %dot_general3A_95, %mul3A_89 : vector<1x128xf32>
    %ge3A = arith.cmpi sge, %iota3A_90, %iota3A_91 : vector<128x128xi32>
    %convert_element_type3A_97 = arith.extui %ge3A : vector<128x128xi1> to vector<128x128xi32>
    %convert_element_type3A_98 = arith.sitofp %convert_element_type3A_97 : vector<128x128xi32> to vector<128x128xf32>
    %broadcast_in_dim3A_99 = arith.constant 0.000000e+00 : f32
    %broadcast_in_dim3A_100 = vector.broadcast %broadcast_in_dim3A_99 : f32 to vector<1x128xf32>
    %scan3A = arith.constant 0 : i32
    %scan3A_101 = arith.constant 32 : i32
    %scan3A_102 = arith.addi %scan3A, %scan3A_101 : i32
    %scan3A_103 = arith.constant 1 : i32
    %scan3A_104 = scf.for %scan3A_223 = %scan3A to %scan3A_102 step %scan3A_103 iter_args(%scan3A_224 = %broadcast_in_dim3A_100) -> (vector<1x128xf32>)  : i32 {
      %mul3A_225 = arith.constant 128 : i32
      %mul3A_226 = arith.muli %scan3A_223, %mul3A_225 : i32
      %get3A_227 = arith.index_cast %mul3A_226 : i32 to index
      %get3A_228 = arith.constant 0 : index
      %get3A_229 = vector.load %arg9[%get3A_227, %get3A_228] : memref<4096x128xf32, #tpu.memory_space<vmem>>, vector<128x128xf32>
      %dot_general3A_230 = arith.constant dense<0.000000e+00> : vector<128x128xf32>
      %dot_general3A_231 = tpu.matmul %convert_element_type3A_98, %get3A_229, %dot_general3A_230 {dimension_numbers = #tpu.dot_dimension_numbers<[1], [0], [0], [1], [0, 0, 1, 1], [], []>, transpose_lhs_hint = false} : vector<128x128xf32>, vector<128x128xf32>, vector<128x128xf32> -> vector<128x128xf32>
      %add3A_232 = vector.broadcast %scan3A_224 : vector<1x128xf32> to vector<128x128xf32>
      %add3A_233 = arith.addf %dot_general3A_231, %add3A_232 : vector<128x128xf32>
      %mul3A_234 = arith.constant 128 : i32
      %mul3A_235 = arith.muli %scan3A_223, %mul3A_234 : i32
      %swap3A_236 = arith.index_cast %mul3A_235 : i32 to index
      %swap3A_237 = arith.constant 0 : index
      %swap3A_238 = vector.load %arg10[%swap3A_236, %swap3A_237] : memref<4096x128xf32, #tpu.memory_space<vmem>>, vector<128x128xf32>
      tpu.vector_store %arg10[%swap3A_236, %swap3A_237], %add3A_233 {strides = array<i32>} : memref<4096x128xf32, #tpu.memory_space<vmem>>, vector<128x128xf32>,
      %reduce_sum3A_239 = arith.constant dense<0.000000e+00> : vector<128xf32>
      %reduce_sum3A_240 = vector.multi_reduction <add>, %get3A_229, %reduce_sum3A_239 [0] : vector<128x128xf32> to vector<128xf32>
      %broadcast_in_dim3A_241 = vector.shape_cast %reduce_sum3A_240 : vector<128xf32> to vector<1x128xf32>
      %add3A_242 = arith.addf %scan3A_224, %broadcast_in_dim3A_241 : vector<1x128xf32>
      scf.yield %add3A_242 : vector<1x128xf32>
    }
    %scan3A_105 = arith.constant 32 : i32
    %get3A_106 = arith.constant 0 : index
    %get3A_107 = arith.constant 0 : index
    %get3A_108 = vector.load %arg9[%get3A_106, %get3A_107] : memref<4096x128xf32, #tpu.memory_space<vmem>>, vector<4096x128xf32>
    %get3A_109 = arith.constant 0 : index
    %get3A_110 = arith.constant 0 : index
    %get3A_111 = vector.load %arg10[%get3A_109, %get3A_110] : memref<4096x128xf32, #tpu.memory_space<vmem>>, vector<4096x128xf32>
    %add3A_112 = vector.broadcast %sub3A_96 : vector<1x128xf32> to vector<4096x128xf32>
    %add3A_113 = arith.addf %add3A_112, %get3A_111 : vector<4096x128xf32>
    %sub3A_114 = arith.constant 1.000000e+00 : f32
    %sub3A_115 = vector.broadcast %sub3A_114 : f32 to vector<4096x128xf32>
    %sub3A_116 = arith.subf %add3A_113, %sub3A_115 : vector<4096x128xf32>
    %mul3A_117 = arith.mulf %get3A_108, %sub3A_116 : vector<4096x128xf32>
    %reduce_sum3A_118 = arith.constant dense<0.000000e+00> : vector<4096xf32>
    %reduce_sum3A_119 = vector.multi_reduction <add>, %mul3A_117, %reduce_sum3A_118 [1] : vector<4096x128xf32> to vector<4096xf32>
    %broadcast_in_dim3A_120 = vector.shape_cast %reduce_sum3A_119 : vector<4096xf32> to vector<4096x1xf32>
    %convert_element_type3A_121 = arith.fptosi %broadcast_in_dim3A_120 : vector<4096x1xf32> to vector<4096x1xi32>
    %swap3A_122 = arith.constant 0 : index
    %swap3A_123 = arith.constant 0 : index
    %swap3A_124 = vector.load %arg5[%swap3A_122, %swap3A_123] : memref<4096x1xi32, #tpu.memory_space<vmem>>, vector<4096x1xi32>
    tpu.vector_store %arg5[%swap3A_122, %swap3A_123], %convert_element_type3A_121 {strides = array<i32>} : memref<4096x1xi32, #tpu.memory_space<vmem>>, vector<4096x1xi32>,
    %iota3A_125 = tpu.iota {dimensions = array<i32: 1>} : vector<1x128xi32>
    %broadcast_in_dim3A_126 = arith.constant 0 : i32
    %broadcast_in_dim3A_127 = vector.broadcast %broadcast_in_dim3A_126 : i32 to vector<1x128xi32>
    %mul3A_128 = arith.constant 256 : i32
    %mul3A_129 = vector.broadcast %mul3A_128 : i32 to vector<1x128xi32>
    %mul3A_130 = arith.muli %iota3A_125, %mul3A_129 : vector<1x128xi32>
    %convert_element_type3A_131 = arith.sitofp %mul3A_130 : vector<1x128xi32> to vector<1x128xf32>
    %slice3A = vector.extract_strided_slice %dot_general3A_95 {offsets = [0, 0], sizes = [1, 1], strides = [1, 1]} : vector<1x128xf32> to vector<1x1xf32>
    %squeeze3A = vector.extract %slice3A[0, 0] : f32 from vector<1x1xf32>
    %ge3A_132 = vector.broadcast %squeeze3A : f32 to vector<1x128xf32>
    %ge3A_133 = arith.cmpf oge, %convert_element_type3A_131, %ge3A_132 : vector<1x128xf32>
    %convert_element_type3A_134 = arith.extui %ge3A_133 : vector<1x128xi1> to vector<1x128xi32>
    %add3A_135 = arith.addi %broadcast_in_dim3A_127, %convert_element_type3A_134 : vector<1x128xi32>
    %mul3A_136 = arith.constant 256 : i32
    %mul3A_137 = vector.broadcast %mul3A_136 : i32 to vector<1x128xi32>
    %mul3A_138 = arith.muli %iota3A_125, %mul3A_137 : vector<1x128xi32>
    %convert_element_type3A_139 = arith.sitofp %mul3A_138 : vector<1x128xi32> to vector<1x128xf32>
    %slice3A_140 = vector.extract_strided_slice %dot_general3A_95 {offsets = [0, 1], sizes = [1, 1], strides = [1, 1]} : vector<1x128xf32> to vector<1x1xf32>
    %squeeze3A_141 = vector.extract %slice3A_140[0, 0] : f32 from vector<1x1xf32>
    %ge3A_142 = vector.broadcast %squeeze3A_141 : f32 to vector<1x128xf32>
    %ge3A_143 = arith.cmpf oge, %convert_element_type3A_139, %ge3A_142 : vector<1x128xf32>
    %convert_element_type3A_144 = arith.extui %ge3A_143 : vector<1x128xi1> to vector<1x128xi32>
    %add3A_145 = arith.addi %add3A_135, %convert_element_type3A_144 : vector<1x128xi32>
    %mul3A_146 = arith.constant 256 : i32
    %mul3A_147 = vector.broadcast %mul3A_146 : i32 to vector<1x128xi32>
    %mul3A_148 = arith.muli %iota3A_125, %mul3A_147 : vector<1x128xi32>
    %convert_element_type3A_149 = arith.sitofp %mul3A_148 : vector<1x128xi32> to vector<1x128xf32>
    %slice3A_150 = vector.extract_strided_slice %dot_general3A_95 {offsets = [0, 2], sizes = [1, 1], strides = [1, 1]} : vector<1x128xf32> to vector<1x1xf32>
    %squeeze3A_151 = vector.extract %slice3A_150[0, 0] : f32 from vector<1x1xf32>
    %ge3A_152 = vector.broadcast %squeeze3A_151 : f32 to vector<1x128xf32>
    %ge3A_153 = arith.cmpf oge, %convert_element_type3A_149, %ge3A_152 : vector<1x128xf32>
    %convert_element_type3A_154 = arith.extui %ge3A_153 : vector<1x128xi1> to vector<1x128xi32>
    %add3A_155 = arith.addi %add3A_145, %convert_element_type3A_154 : vector<1x128xi32>
    %mul3A_156 = arith.constant 256 : i32
    %mul3A_157 = vector.broadcast %mul3A_156 : i32 to vector<1x128xi32>
    %mul3A_158 = arith.muli %iota3A_125, %mul3A_157 : vector<1x128xi32>
    %convert_element_type3A_159 = arith.sitofp %mul3A_158 : vector<1x128xi32> to vector<1x128xf32>
    %slice3A_160 = vector.extract_strided_slice %dot_general3A_95 {offsets = [0, 3], sizes = [1, 1], strides = [1, 1]} : vector<1x128xf32> to vector<1x1xf32>
    %squeeze3A_161 = vector.extract %slice3A_160[0, 0] : f32 from vector<1x1xf32>
    %ge3A_162 = vector.broadcast %squeeze3A_161 : f32 to vector<1x128xf32>
    %ge3A_163 = arith.cmpf oge, %convert_element_type3A_159, %ge3A_162 : vector<1x128xf32>
    %convert_element_type3A_164 = arith.extui %ge3A_163 : vector<1x128xi1> to vector<1x128xi32>
    %add3A_165 = arith.addi %add3A_155, %convert_element_type3A_164 : vector<1x128xi32>
    %mul3A_166 = arith.constant 256 : i32
    %mul3A_167 = vector.broadcast %mul3A_166 : i32 to vector<1x128xi32>
    %mul3A_168 = arith.muli %iota3A_125, %mul3A_167 : vector<1x128xi32>
    %convert_element_type3A_169 = arith.sitofp %mul3A_168 : vector<1x128xi32> to vector<1x128xf32>
    %slice3A_170 = vector.extract_strided_slice %dot_general3A_95 {offsets = [0, 4], sizes = [1, 1], strides = [1, 1]} : vector<1x128xf32> to vector<1x1xf32>
    %squeeze3A_171 = vector.extract %slice3A_170[0, 0] : f32 from vector<1x1xf32>
    %ge3A_172 = vector.broadcast %squeeze3A_171 : f32 to vector<1x128xf32>
    %ge3A_173 = arith.cmpf oge, %convert_element_type3A_169, %ge3A_172 : vector<1x128xf32>
    %convert_element_type3A_174 = arith.extui %ge3A_173 : vector<1x128xi1> to vector<1x128xi32>
    %add3A_175 = arith.addi %add3A_165, %convert_element_type3A_174 : vector<1x128xi32>
    %mul3A_176 = arith.constant 256 : i32
    %mul3A_177 = vector.broadcast %mul3A_176 : i32 to vector<1x128xi32>
    %mul3A_178 = arith.muli %iota3A_125, %mul3A_177 : vector<1x128xi32>
    %convert_element_type3A_179 = arith.sitofp %mul3A_178 : vector<1x128xi32> to vector<1x128xf32>
    %slice3A_180 = vector.extract_strided_slice %dot_general3A_95 {offsets = [0, 5], sizes = [1, 1], strides = [1, 1]} : vector<1x128xf32> to vector<1x1xf32>
    %squeeze3A_181 = vector.extract %slice3A_180[0, 0] : f32 from vector<1x1xf32>
    %ge3A_182 = vector.broadcast %squeeze3A_181 : f32 to vector<1x128xf32>
    %ge3A_183 = arith.cmpf oge, %convert_element_type3A_179, %ge3A_182 : vector<1x128xf32>
    %convert_element_type3A_184 = arith.extui %ge3A_183 : vector<1x128xi1> to vector<1x128xi32>
    %add3A_185 = arith.addi %add3A_175, %convert_element_type3A_184 : vector<1x128xi32>
    %mul3A_186 = arith.constant 256 : i32
    %mul3A_187 = vector.broadcast %mul3A_186 : i32 to vector<1x128xi32>
    %mul3A_188 = arith.muli %iota3A_125, %mul3A_187 : vector<1x128xi32>
    %convert_element_type3A_189 = arith.sitofp %mul3A_188 : vector<1x128xi32> to vector<1x128xf32>
    %slice3A_190 = vector.extract_strided_slice %dot_general3A_95 {offsets = [0, 6], sizes = [1, 1], strides = [1, 1]} : vector<1x128xf32> to vector<1x1xf32>
    %squeeze3A_191 = vector.extract %slice3A_190[0, 0] : f32 from vector<1x1xf32>
    %ge3A_192 = vector.broadcast %squeeze3A_191 : f32 to vector<1x128xf32>
    %ge3A_193 = arith.cmpf oge, %convert_element_type3A_189, %ge3A_192 : vector<1x128xf32>
    %convert_element_type3A_194 = arith.extui %ge3A_193 : vector<1x128xi1> to vector<1x128xi32>
    %add3A_195 = arith.addi %add3A_185, %convert_element_type3A_194 : vector<1x128xi32>
    %mul3A_196 = arith.constant 256 : i32
    %mul3A_197 = vector.broadcast %mul3A_196 : i32 to vector<1x128xi32>
    %mul3A_198 = arith.muli %iota3A_125, %mul3A_197 : vector<1x128xi32>
    %convert_element_type3A_199 = arith.sitofp %mul3A_198 : vector<1x128xi32> to vector<1x128xf32>
    %slice3A_200 = vector.extract_strided_slice %dot_general3A_95 {offsets = [0, 7], sizes = [1, 1], strides = [1, 1]} : vector<1x128xf32> to vector<1x1xf32>
    %squeeze3A_201 = vector.extract %slice3A_200[0, 0] : f32 from vector<1x1xf32>
    %ge3A_202 = vector.broadcast %squeeze3A_201 : f32 to vector<1x128xf32>
    %ge3A_203 = arith.cmpf oge, %convert_element_type3A_199, %ge3A_202 : vector<1x128xf32>
    %convert_element_type3A_204 = arith.extui %ge3A_203 : vector<1x128xi1> to vector<1x128xi32>
    %add3A_205 = arith.addi %add3A_195, %convert_element_type3A_204 : vector<1x128xi32>
    %min3A = arith.constant 7 : i32
    %min3A_206 = vector.broadcast %min3A : i32 to vector<1x128xi32>
    %min3A_207 = arith.minsi %add3A_205, %min3A_206 : vector<1x128xi32>
    %swap3A_208 = arith.constant 0 : index
    %swap3A_209 = arith.constant 0 : index
    %swap3A_210 = vector.load %arg7[%swap3A_208, %swap3A_209] : memref<1x128xi32, #tpu.memory_space<vmem>>, vector<1x128xi32>
    tpu.vector_store %arg7[%swap3A_208, %swap3A_209], %min3A_207 {strides = array<i32>} : memref<1x128xi32, #tpu.memory_space<vmem>>, vector<1x128xi32>,
    %mul3A_211 = arith.constant 256 : i32
    %mul3A_212 = vector.broadcast %mul3A_211 : i32 to vector<1x128xi32>
    %mul3A_213 = arith.muli %iota3A_125, %mul3A_212 : vector<1x128xi32>
    %convert_element_type3A_214 = arith.sitofp %mul3A_213 : vector<1x128xi32> to vector<1x128xf32>
    %slice3A_215 = vector.extract_strided_slice %dot_general3A_95 {offsets = [0, 7], sizes = [1, 1], strides = [1, 1]} : vector<1x128xf32> to vector<1x1xf32>
    %squeeze3A_216 = vector.extract %slice3A_215[0, 0] : f32 from vector<1x1xf32>
    %lt3A_217 = vector.broadcast %squeeze3A_216 : f32 to vector<1x128xf32>
    %lt3A_218 = arith.cmpf olt, %convert_element_type3A_214, %lt3A_217 : vector<1x128xf32>
    %convert_element_type3A_219 = arith.extui %lt3A_218 : vector<1x128xi1> to vector<1x128xi32>
    %swap3A_220 = arith.constant 0 : index
    %swap3A_221 = arith.constant 0 : index
    %swap3A_222 = vector.load %arg8[%swap3A_220, %swap3A_221] : memref<1x128xi32, #tpu.memory_space<vmem>>, vector<1x128xi32>
    tpu.vector_store %arg8[%swap3A_220, %swap3A_221], %convert_element_type3A_219 {strides = array<i32>} : memref<1x128xi32, #tpu.memory_space<vmem>>, vector<1x128xi32>,
    return
  }
  func.func @transform_0(%arg0: i32) -> (i32, i32) {
    %c0_i32 = arith.constant 0 : i32
    %c0_i32_0 = arith.constant 0 : i32
    %c0_i32_1 = arith.constant 0 : i32
    return %c0_i32, %c0_i32_0 : i32, i32
  }
  func.func @transform_1(%arg0: i32) -> (i32, i32) {
    %c0_i32 = arith.constant 0 : i32
    %c0_i32_0 = arith.constant 0 : i32
    %c0_i32_1 = arith.constant 0 : i32
    return %c0_i32, %c0_i32_0 : i32, i32
  }
  func.func @transform_2(%arg0: i32) -> (i32, i32) {
    %c0_i32 = arith.constant 0 : i32
    %c0_i32_0 = arith.constant 0 : i32
    %c0_i32_1 = arith.constant 0 : i32
    return %c0_i32, %c0_i32_0 : i32, i32
  }
  func.func @transform_3(%arg0: i32) -> (i32, i32) {
    %c0_i32 = arith.constant 0 : i32
    %c0_i32_0 = arith.constant 0 : i32
    %c0_i32_1 = arith.constant 0 : i32
    return %c0_i32, %c0_i32_0 : i32, i32
  }
  func.func @transform_4(%arg0: i32) -> (i32, i32) {
    %c0_i32 = arith.constant 0 : i32
    %c0_i32_0 = arith.constant 0 : i32
    %c0_i32_1 = arith.constant 0 : i32
    return %c0_i32, %c0_i32_0 : i32, i32
  }
  func.func @transform_5(%arg0: i32) -> (i32, i32) {
    %c0_i32 = arith.constant 0 : i32
    %c0_i32_0 = arith.constant 0 : i32
    %c0_i32_1 = arith.constant 0 : i32
    return %c0_i32, %c0_i32_0 : i32, i32
  }
  func.func @transform_6(%arg0: i32) -> (i32, i32) {
    %c0_i32 = arith.constant 0 : i32
    %c0_i32_0 = arith.constant 0 : i32
    %c0_i32_1 = arith.constant 0 : i32
    return %c0_i32, %c0_i32_0 : i32, i32
  }
  func.func @transform_7(%arg0: i32) -> (i32, i32) {
    %c0_i32 = arith.constant 0 : i32
    %c0_i32_0 = arith.constant 0 : i32
    %c0_i32_1 = arith.constant 0 : i32
    return %c0_i32, %c0_i32_0 : i32, i32
  }
}

module attributes {stable_mosaic.version = 14 : i64} {
  func.func @_moe_body(%arg0: i32, %arg1: memref<24xi32, #tpu.memory_space<smem>>, %arg2: memref<24xi32, #tpu.memory_space<smem>>, %arg3: memref<256x1024xf32, #tpu.memory_space<vmem>>, %arg4: memref<1x1024x2048xbf16, #tpu.memory_space<vmem>>, %arg5: memref<1x1024x2048xbf16, #tpu.memory_space<vmem>>, %arg6: memref<1x2048x1024xbf16, #tpu.memory_space<vmem>>, %arg7: memref<256x1024xf32, #tpu.memory_space<vmem>>) attributes {dimension_semantics = [#tpu.dimension_semantics<arbitrary>], iteration_bounds = array<i64: 24>, scalar_prefetch = 2 : i64, scratch_operands = 0 : i64, tpu.core_type = #tpu.core_type<tc>, window_params = [{transform_indices = @transform_0, window_bounds = array<i64: 256, 1024>}, {transform_indices = @transform_1, window_bounds = array<i64: 1, 1024, 2048>}, {transform_indices = @transform_2, window_bounds = array<i64: 1, 1024, 2048>}, {transform_indices = @transform_3, window_bounds = array<i64: 1, 2048, 1024>}, {transform_indices = @transform_4, window_bounds = array<i64: 256, 1024>}]} {
    %get3A = arith.index_cast %arg0 : i32 to index
    %get3A_0 = memref.load %arg2[%get3A] : memref<24xi32, #tpu.memory_space<smem>>
    %ne3A = arith.constant 0 : i32
    %ne3A_1 = arith.cmpi ne, %get3A_0, %ne3A : i32
    %convert_element_type3A = arith.extui %ne3A_1 : i1 to i32
    %cond3A = arith.constant 0 : i32
    %cond3A_2 = arith.cmpi ne, %convert_element_type3A, %cond3A : i32
    scf.if %cond3A_2 {
      %get3A_3 = arith.constant 0 : index
      %get3A_4 = arith.constant 0 : index
      %get3A_5 = vector.load %arg3[%get3A_3, %get3A_4] : memref<256x1024xf32, #tpu.memory_space<vmem>>, vector<256x1024xf32>
      %convert_element_type3A_6 = arith.truncf %get3A_5 : vector<256x1024xf32> to vector<256x1024xbf16>
      %get3A_7 = arith.constant 0 : index
      %get3A_8 = arith.constant 0 : index
      %get3A_9 = arith.constant 0 : index
      %get3A_10 = vector.load %arg4[%get3A_7, %get3A_8, %get3A_9] : memref<1x1024x2048xbf16, #tpu.memory_space<vmem>>, vector<1x1024x2048xbf16>
      %get3A_11 = vector.shape_cast %get3A_10 : vector<1x1024x2048xbf16> to vector<1024x2048xbf16>
      %dot_general3A = arith.constant dense<0.000000e+00> : vector<256x2048xf32>
      %dot_general3A_12 = tpu.matmul %convert_element_type3A_6, %get3A_11, %dot_general3A {dimension_numbers = #tpu.dot_dimension_numbers<[1], [0], [0], [1], [0, 0, 1, 1], [], []>, transpose_lhs_hint = false} : vector<256x1024xbf16>, vector<1024x2048xbf16>, vector<256x2048xf32> -> vector<256x2048xf32>
      %get3A_13 = arith.constant 0 : index
      %get3A_14 = arith.constant 0 : index
      %get3A_15 = arith.constant 0 : index
      %get3A_16 = vector.load %arg5[%get3A_13, %get3A_14, %get3A_15] : memref<1x1024x2048xbf16, #tpu.memory_space<vmem>>, vector<1x1024x2048xbf16>
      %get3A_17 = vector.shape_cast %get3A_16 : vector<1x1024x2048xbf16> to vector<1024x2048xbf16>
      %dot_general3A_18 = arith.constant dense<0.000000e+00> : vector<256x2048xf32>
      %dot_general3A_19 = tpu.matmul %convert_element_type3A_6, %get3A_17, %dot_general3A_18 {dimension_numbers = #tpu.dot_dimension_numbers<[1], [0], [0], [1], [0, 0, 1, 1], [], []>, transpose_lhs_hint = false} : vector<256x1024xbf16>, vector<1024x2048xbf16>, vector<256x2048xf32> -> vector<256x2048xf32>
      %neg3A = arith.constant 0.000000e+00 : f32
      %neg3A_20 = vector.broadcast %neg3A : f32 to vector<256x2048xf32>
      %neg3A_21 = arith.subf %neg3A_20, %dot_general3A_12 : vector<256x2048xf32>
      %exp3A = math.exp %neg3A_21 : vector<256x2048xf32>
      %add3A = arith.constant 1.000000e+00 : f32
      %add3A_22 = vector.broadcast %add3A : f32 to vector<256x2048xf32>
      %add3A_23 = arith.addf %add3A_22, %exp3A : vector<256x2048xf32>
      %div3A = arith.constant 1.000000e+00 : f32
      %div3A_24 = vector.broadcast %div3A : f32 to vector<256x2048xf32>
      %div3A_25 = arith.divf %div3A_24, %add3A_23 : vector<256x2048xf32>
      %mul3A = arith.mulf %dot_general3A_12, %div3A_25 : vector<256x2048xf32>
      %mul3A_26 = arith.mulf %mul3A, %dot_general3A_19 : vector<256x2048xf32>
      %convert_element_type3A_27 = arith.truncf %mul3A_26 : vector<256x2048xf32> to vector<256x2048xbf16>
      %get3A_28 = arith.constant 0 : index
      %get3A_29 = arith.constant 0 : index
      %get3A_30 = arith.constant 0 : index
      %get3A_31 = vector.load %arg6[%get3A_28, %get3A_29, %get3A_30] : memref<1x2048x1024xbf16, #tpu.memory_space<vmem>>, vector<1x2048x1024xbf16>
      %get3A_32 = vector.shape_cast %get3A_31 : vector<1x2048x1024xbf16> to vector<2048x1024xbf16>
      %dot_general3A_33 = arith.constant dense<0.000000e+00> : vector<256x1024xf32>
      %dot_general3A_34 = tpu.matmul %convert_element_type3A_27, %get3A_32, %dot_general3A_33 {dimension_numbers = #tpu.dot_dimension_numbers<[1], [0], [0], [1], [0, 0, 1, 1], [], []>, transpose_lhs_hint = false} : vector<256x2048xbf16>, vector<2048x1024xbf16>, vector<256x1024xf32> -> vector<256x1024xf32>
      %swap3A = arith.constant 0 : index
      %swap3A_35 = arith.constant 0 : index
      %swap3A_36 = vector.load %arg7[%swap3A, %swap3A_35] : memref<256x1024xf32, #tpu.memory_space<vmem>>, vector<256x1024xf32>
      tpu.vector_store %arg7[%swap3A, %swap3A_35], %dot_general3A_34 {strides = array<i32>} : memref<256x1024xf32, #tpu.memory_space<vmem>>, vector<256x1024xf32>,
    } else {
    }
    return
  }
  func.func @transform_0(%arg0: i32, %arg1: memref<24xi32, #tpu.memory_space<smem>>, %arg2: memref<24xi32, #tpu.memory_space<smem>>) -> (i32, i32) {
    %c0_i32 = arith.constant 0 : i32
    %c0_i32_0 = arith.constant 0 : i32
    return %arg0, %c0_i32 : i32, i32
  }
  func.func @transform_1(%arg0: i32, %arg1: memref<24xi32, #tpu.memory_space<smem>>, %arg2: memref<24xi32, #tpu.memory_space<smem>>) -> (i32, i32, i32) {
    %get3A = arith.index_cast %arg0 : i32 to index
    %get3A_0 = memref.load %arg1[%get3A] : memref<24xi32, #tpu.memory_space<smem>>
    %c0_i32 = arith.constant 0 : i32
    %c0_i32_1 = arith.constant 0 : i32
    %c0_i32_2 = arith.constant 0 : i32
    return %get3A_0, %c0_i32, %c0_i32_1 : i32, i32, i32
  }
  func.func @transform_2(%arg0: i32, %arg1: memref<24xi32, #tpu.memory_space<smem>>, %arg2: memref<24xi32, #tpu.memory_space<smem>>) -> (i32, i32, i32) {
    %get3A = arith.index_cast %arg0 : i32 to index
    %get3A_0 = memref.load %arg1[%get3A] : memref<24xi32, #tpu.memory_space<smem>>
    %c0_i32 = arith.constant 0 : i32
    %c0_i32_1 = arith.constant 0 : i32
    %c0_i32_2 = arith.constant 0 : i32
    return %get3A_0, %c0_i32, %c0_i32_1 : i32, i32, i32
  }
  func.func @transform_3(%arg0: i32, %arg1: memref<24xi32, #tpu.memory_space<smem>>, %arg2: memref<24xi32, #tpu.memory_space<smem>>) -> (i32, i32, i32) {
    %get3A = arith.index_cast %arg0 : i32 to index
    %get3A_0 = memref.load %arg1[%get3A] : memref<24xi32, #tpu.memory_space<smem>>
    %c0_i32 = arith.constant 0 : i32
    %c0_i32_1 = arith.constant 0 : i32
    %c0_i32_2 = arith.constant 0 : i32
    return %get3A_0, %c0_i32, %c0_i32_1 : i32, i32, i32
  }
  func.func @transform_4(%arg0: i32, %arg1: memref<24xi32, #tpu.memory_space<smem>>, %arg2: memref<24xi32, #tpu.memory_space<smem>>) -> (i32, i32) {
    %c0_i32 = arith.constant 0 : i32
    %c0_i32_0 = arith.constant 0 : i32
    return %arg0, %c0_i32 : i32, i32
  }
}

module attributes {stable_mosaic.version = 14 : i64} {
  func.func @_combine_body(%arg0: i32, %arg1: memref<512x1024xf32, #tpu.memory_space<vmem>>, %arg2: memref<512x1024xf32, #tpu.memory_space<vmem>>, %arg3: memref<512x1024xf32, #tpu.memory_space<vmem>>, %arg4: memref<512x1xf32, #tpu.memory_space<vmem>>, %arg5: memref<512x1xf32, #tpu.memory_space<vmem>>, %arg6: memref<512x1024xf32, #tpu.memory_space<vmem>>) attributes {dimension_semantics = [#tpu.dimension_semantics<arbitrary>], iteration_bounds = array<i64: 4>, scalar_prefetch = 0 : i64, scratch_operands = 0 : i64, tpu.core_type = #tpu.core_type<tc>, window_params = [{transform_indices = @transform_0, window_bounds = array<i64: 512, 1024>}, {transform_indices = @transform_1, window_bounds = array<i64: 512, 1024>}, {transform_indices = @transform_2, window_bounds = array<i64: 512, 1024>}, {transform_indices = @transform_3, window_bounds = array<i64: 512, 1>}, {transform_indices = @transform_4, window_bounds = array<i64: 512, 1>}, {transform_indices = @transform_5, window_bounds = array<i64: 512, 1024>}]} {
    %get3A = arith.constant 0 : index
    %get3A_0 = arith.constant 0 : index
    %get3A_1 = vector.load %arg1[%get3A, %get3A_0] : memref<512x1024xf32, #tpu.memory_space<vmem>>, vector<512x1024xf32>
    %get3A_2 = arith.constant 0 : index
    %get3A_3 = arith.constant 0 : index
    %get3A_4 = vector.load %arg4[%get3A_2, %get3A_3] : memref<512x1xf32, #tpu.memory_space<vmem>>, vector<512x1xf32>
    %get3A_5 = arith.constant 0 : index
    %get3A_6 = arith.constant 0 : index
    %get3A_7 = vector.load %arg2[%get3A_5, %get3A_6] : memref<512x1024xf32, #tpu.memory_space<vmem>>, vector<512x1024xf32>
    %mul3A = vector.broadcast %get3A_4 : vector<512x1xf32> to vector<512x1024xf32>
    %mul3A_8 = arith.mulf %mul3A, %get3A_7 : vector<512x1024xf32>
    %add3A = arith.addf %get3A_1, %mul3A_8 : vector<512x1024xf32>
    %get3A_9 = arith.constant 0 : index
    %get3A_10 = arith.constant 0 : index
    %get3A_11 = vector.load %arg5[%get3A_9, %get3A_10] : memref<512x1xf32, #tpu.memory_space<vmem>>, vector<512x1xf32>
    %get3A_12 = arith.constant 0 : index
    %get3A_13 = arith.constant 0 : index
    %get3A_14 = vector.load %arg3[%get3A_12, %get3A_13] : memref<512x1024xf32, #tpu.memory_space<vmem>>, vector<512x1024xf32>
    %mul3A_15 = vector.broadcast %get3A_11 : vector<512x1xf32> to vector<512x1024xf32>
    %mul3A_16 = arith.mulf %mul3A_15, %get3A_14 : vector<512x1024xf32>
    %add3A_17 = arith.addf %add3A, %mul3A_16 : vector<512x1024xf32>
    %swap3A = arith.constant 0 : index
    %swap3A_18 = arith.constant 0 : index
    %swap3A_19 = vector.load %arg6[%swap3A, %swap3A_18] : memref<512x1024xf32, #tpu.memory_space<vmem>>, vector<512x1024xf32>
    tpu.vector_store %arg6[%swap3A, %swap3A_18], %add3A_17 {strides = array<i32>} : memref<512x1024xf32, #tpu.memory_space<vmem>>, vector<512x1024xf32>,
    return
  }
  func.func @transform_0(%arg0: i32) -> (i32, i32) {
    %c0_i32 = arith.constant 0 : i32
    %c0_i32_0 = arith.constant 0 : i32
    return %arg0, %c0_i32 : i32, i32
  }
  func.func @transform_1(%arg0: i32) -> (i32, i32) {
    %c0_i32 = arith.constant 0 : i32
    %c0_i32_0 = arith.constant 0 : i32
    return %arg0, %c0_i32 : i32, i32
  }
  func.func @transform_2(%arg0: i32) -> (i32, i32) {
    %c0_i32 = arith.constant 0 : i32
    %c0_i32_0 = arith.constant 0 : i32
    return %arg0, %c0_i32 : i32, i32
  }
  func.func @transform_3(%arg0: i32) -> (i32, i32) {
    %c0_i32 = arith.constant 0 : i32
    %c0_i32_0 = arith.constant 0 : i32
    return %arg0, %c0_i32 : i32, i32
  }
  func.func @transform_4(%arg0: i32) -> (i32, i32) {
    %c0_i32 = arith.constant 0 : i32
    %c0_i32_0 = arith.constant 0 : i32
    return %arg0, %c0_i32 : i32, i32
  }
  func.func @transform_5(%arg0: i32) -> (i32, i32) {
    %c0_i32 = arith.constant 0 : i32
    %c0_i32_0 = arith.constant 0 : i32
    return %arg0, %c0_i32 : i32, i32
  }
}

</mosaic_0001>

<sc_bundles>
// kernel: kernel.10.cloned.1.call-start
scs
__scs_entry_jumppad:
0x0: {  	(pc) =	sbr.rel $0x88, $3  }
0x1: {  	(tag) =	ssettag $0x0;
	lr =	simm.s32 $0x1  }
0x2: {  	[smem:$0x3F96] =	sst lr;
	_ =	strace $0xD0000000  }
0x3: {  	_ = 	snop  }
0x4: {  	_ = 	snop  }
0x5: {  	_ = 	snop  }
0x6: {  	_ = 	snop  }
0x7: {  	_ = 	snop  }
__scs_overlays_trampoline_lowered:
0x8: {  	[smem:$0x3FA5] =	sst s0  }
0x9: {  	[smem:$0x3FA6] =	sst s1  }
0xa: {  	[smem:$0x3FA7] =	sst s2  }
0xb: {  	[smem:$0x3FA8] =	sst s3  }
0xc: {  	[smem:$0x3FA9] =	sst s4  }
0xd: {  	[smem:$0x3FAA] =	sst s5  }
0xe: {  	[smem:$0x3FAB] =	sst s6  }
0xf: {  	[smem:$0x3FAC] =	sst s7  }
0x10: {  	[smem:$0x3FAD] =	sst s8  }
0x11: {  	[smem:$0x3FAE] =	sst s9;
	s0 =	simm.s32 @!p0 $0x0  }
0x12: {  	s1 =	sld [smem:$0x3F94];
	s0 =	simm.s32 @p0 $0x1  }
0x13: {  	[smem:$0x3FAF] =	sst s0;
	s0 =	simm.s32 @!p1 $0x0  }
0x14: {  	s2 =	sld [smem:$0x3F93];
	s0 =	simm.s32 @p1 $0x1  }
0x15: {  	[smem:$0x3FB0] =	sst s0;
	s0 =	simm.s32 @!p2 $0x0  }
0x16: {  	s3 =	sld [smem:$0x3FDB];
	s0 =	simm.s32 @p2 $0x1  }
0x17: {  	s4 =	simm.s32 $0x1BF5;
	[smem:$0x3FB2] =	sst s0  }
0x18: {  	s0 =	sld [smem:$0x3F95];
	_ =	swait.ge [sflag:s4], $0x0  }
0x19: {  	s7 =	sld [smem:$0x3F96]  }
0x1a: {  	s8 =	sadd.s32 $0xFFFFE003, lr  }
0x1b: {  	s9 =	sadd.s32 $0xFFFFFEF7, lr;
	s5 =	simm.s32 $0xFFFFFFFF;
	p2 =	slt.u32 s8, $0xFFFFF086  }
0x1c: {  	p1 =	slt.u32 s9, $0xF7A;
	s5 =	simm.s32 @!p2 $0x0  }
0x1d: {  	s5 =	simm.s32 @p1 $0x1;
	p0 =	seq.s32 s7, s2  }
0x1e: {  	s7 =	smul.u32 @!p0 $0xF7A, s2;
	p2 =	seq.s32 @!p0 s5, $0x0  }
0x1f: {  	s9 =	smul.u32 $0xF7A, s1;
	s8 =	simm.s32 @!p0 $0x1BF5;
	p2 =	por !p2, p0  }
0x20: {  	[sflag:s8] =	ssyncset.s32 @!p0 $0xFFFFF086;
	s6 =	sadd.s32 @!p0 s3, s7;
	s7 =	simm.s32 @!p0 $0x108  }
0x21: {  	s3 =	sadd.s32 s3, s9;
	s6 =	sadd.s32 @!p0 $0x88, s6;
	s7 =	simm.s32 @p2 $0x1082  }
0x22: {  	[simem:s7], [sflag:s8] =	dma.local @!p0 [hbm:s6], $0xF7A  }
0x23: {  	s9 =	sor.u32 $0xD0000000, s2;
	s6 =	simm.s32 $0x108;
	_ =	swait.ge @!p0 [sflag:s8], $0x0  }
0x24: {  	s3 =	sadd.s32 $0x88, s3;
	s6 =	simm.s32 @!p1 $0x1082;
	[sflag:s4] =	ssyncset.s32 $0xFFFFF086  }
0x25: {  	[simem:s6], [sflag:s4] =	dma.local [hbm:s3], $0xF7A  }
0x26: {  	[smem:$0x3F96] =	sst s1;
	(tag) =	ssettag s2;
	_ =	strace s9  }
0x27: {  	s1 =	sld [smem:$0x3FA6]  }
0x28: {  	s2 =	sld [smem:$0x3FA7]  }
0x29: {  	s4 =	sld [smem:$0x3FA9]  }
0x2a: {  	p0 =	seq.s32 s5, $0x0;
	s5 =	sld [smem:$0x3FAA]  }
0x2b: {  	s6 =	sld [smem:$0x3FAB]  }
0x2c: {  	s7 =	sld [smem:$0x3FAC]  }
0x2d: {  	s3 =	simm.s32 $0x108;
	s8 =	sld [smem:$0x3FAD]  }
0x2e: {  	s3 =	simm.s32 @!p0 $0x1082;
	s9 =	sld [smem:$0x3FAE]  }
0x2f: {  	lr =	sadd.s32 s0, s3;
	s0 =	sld [smem:$0x3FA5]  }
0x30: {  	s3 =	sld [smem:$0x3FA8]  }
0x31: {  	[smem:$0x3FB1] =	sst s10  }
0x32: {  	s10 =	sld [smem:$0x3FAF];
	_ =	sdelay $0x3  }
0x33: {  	p0 =	seq.s32 s10, $0x1;
	s10 =	sld [smem:$0x3FB1];
	_ =	sdelay $0x3  }
0x34: {  	[smem:$0x3FB1] =	sst s10  }
0x35: {  	s10 =	sld [smem:$0x3FB0];
	_ =	sdelay $0x3  }
0x36: {  	p1 =	seq.s32 s10, $0x1;
	s10 =	sld [smem:$0x3FB1];
	_ =	sdelay $0x3  }
0x37: {  	[smem:$0x3FB1] =	sst s10  }
0x38: {  	s10 =	sld [smem:$0x3FB2]  }
0x39: {  	_ = 	snop;
	(pc) =	sbr.ind lr, $3  }
0x3a: {  	_ = 	snop  }
0x3b: {  	_ = 	snop  }
0x3c: {  	p2 =	seq.s32 s10, $0x1;
	s10 =	sld [smem:$0x3FB1]  }
0x3d: {  	_ =	shalt  }
0x3e: {  	_ =	shalt  }
0x3f: {  	_ =	shalt  }
0x40: {  	_ =	shalt  }
0x41: {  	_ =	shalt  }
0x42: {  	_ =	shalt  }
0x43: {  	_ =	shalt  }
0x44: {  	_ =	shalt  }
0x45: {  	_ =	shalt  }
0x46: {  	_ =	shalt  }
0x47: {  	_ =	shalt  }
0x48: {  	_ =	shalt  }
0x49: {  	_ =	shalt  }
0x4a: {  	_ =	shalt  }
0x4b: {  	_ =	shalt  }
0x4c: {  	_ =	shalt  }
0x4d: {  	_ =	shalt  }
0x4e: {  	_ =	shalt  }
0x4f: {  	_ =	shalt  }
0x50: {  	_ =	shalt  }
0x51: {  	_ =	shalt  }
0x52: {  	_ =	shalt  }
0x53: {  	_ =	shalt  }
0x54: {  	_ =	shalt  }
0x55: {  	_ =	shalt  }
0x56: {  	_ =	shalt  }
0x57: {  	_ =	shalt  }
0x58: {  	_ =	shalt  }
0x59: {  	_ =	shalt  }
0x5a: {  	_ =	shalt  }
0x5b: {  	_ =	shalt  }
0x5c: {  	_ =	shalt  }
0x5d: {  	_ =	shalt  }
0x5e: {  	_ =	shalt  }
0x5f: {  	_ =	shalt  }
0x60: {  	_ =	shalt  }
0x61: {  	_ =	shalt  }
0x62: {  	_ =	shalt  }
0x63: {  	_ =	shalt  }
0x64: {  	_ =	shalt  }
0x65: {  	_ =	shalt  }
0x66: {  	_ =	shalt  }
0x67: {  	_ =	shalt  }
0x68: {  	_ =	shalt  }
0x69: {  	_ =	shalt  }
0x6a: {  	_ =	shalt  }
0x6b: {  	_ =	shalt  }
0x6c: {  	_ =	shalt  }
0x6d: {  	_ =	shalt  }
0x6e: {  	_ =	shalt  }
0x6f: {  	_ =	shalt  }
0x70: {  	_ =	shalt  }
0x71: {  	_ =	shalt  }
0x72: {  	_ =	shalt  }
0x73: {  	_ =	shalt  }
0x74: {  	_ =	shalt  }
0x75: {  	_ =	shalt  }
0x76: {  	_ =	shalt  }
0x77: {  	_ =	shalt  }
0x78: {  	_ =	shalt  }
0x79: {  	_ =	shalt  }
0x7a: {  	_ =	shalt  }
0x7b: {  	_ =	shalt  }
0x7c: {  	_ =	shalt  }
0x7d: {  	_ =	shalt  }
0x7e: {  	_ =	shalt  }
0x7f: {  	_ =	shalt  }
0x80: {  	_ =	shalt  }
0x81: {  	_ =	shalt  }
0x82: {  	_ =	shalt  }
0x83: {  	_ =	shalt  }
0x84: {  	_ =	shalt  }
0x85: {  	_ =	shalt  }
0x86: {  	_ =	shalt  }
0x87: {  	_ =	shalt  }
.Lfunc_end0:
.L_simem_size_0:
called_computation_lowered:
.L_overlay_start_0:
0x88: {  	s2 =	sld [smem:$0x3FD9]  }
0x89: {  	s3 =	sld [smem:$0x3FFE];
	_ =	sdelay $0x1  }
0x8a: {  	s1 =	srdreg.scid  }
0x8b: {  	s0 =	sand.u32 $0x1, s1  }
0x8c: {  	s16 =	sshll.u32 s0, $0xA;
	s2 =	sadd.s32 s3, s2  }
0x8d: {  	s2 =	sadd.s32 s2, s16  }
0x8e: {  	[smem:$0x3FBD] =	sst s2  }
0x8f: {  	_ = 	snop  }
0x90: {  	(tm) =	ssettm $0x1  }
0x91: {  	s17 =	sld [smem:$0x3FFB];
	_ =	sdelay $0x3  }
0x92: {  	_ =	strace s17  }
0x93: {  	s2 =	sld [smem:$0x3FFC];
	_ =	sdelay $0x3  }
0x94: {  	_ =	strace s2  }
0x95: {  	s2 =	sld [smem:$0x3FFD];
	_ =	sdelay $0x3  }
0x96: {  	_ =	strace s2  }
0x97: {  	_ =	strace $0x8FFFFFFF  }
0x98: {  	s18 =	sld [smem:$0x3FDB];
	_ =	sdelay $0x1  }
0x99: {  	s19 =	simm.s32 $_scs_section_size  }
0x9a: {  	s4 =	simm.s32 $_size__tile_overlayer_lowered;
	s5 =	simm.s32 $_tile_overlayer_lowered  }
0x9b: {  	s22 =	simm.s32 $0x1BFF;
	s21 =	sshll.u32 s5, $0x1;
	s2 =	sadd.s32 s19, s18  }
0x9c: {  	s6 =	simm.s32 $0x0;
	s20 =	sshll.u32 s4, $0x1;
	s4 =	sadd.s32 s21, s2  }
0x9d: {  	[timem:s6], [sflag:s22] =	dma.local [hbm:s4], s20  }
0x9e: {  	_ =	swait.ge [sflag:s22], s20  }
0x9f: {  	s3 =	ssub.s32 $0x0, s20;
	[sflag:s22] =	ssyncset.done $0x0  }
0xa0: {  	[sflag:s22] =	ssyncadd.s32 s3;
	_ =	sdelay $0x1  }
0xa1: {  	s23 =	simm.s32 $0x1B8B  }
0xa2: {  	_ =	swait.ge [sflag:s23], $0x1  }
0xa3: {  	[sflag:s23] =	ssyncset.done $0x0  }
0xa4: {  	s25 =	simm.s32 $0x1B8E;
	s24 =	sld [smem:$0x3FFE];
	[sflag:s23] =	ssyncadd.s32 $0xFFFFFFFF  }
0xa5: {  	s26 =	simm.s32 $execute0_lowered;
	[smem:$0x3FD2] =	sst s25  }
0xa6: {  	s4 =	sshll.u32 s26, $0x1;
	_ =	strace $0x80000046;
	[dreg:$0x1] =	wrdreg $0xFFFFFFFF  }
0xa7: {  	s28 =	simm.s32 $_size_execute0_lowered;
	s2 =	sadd.s32 s2, s4;
	[dreg:$0x0] =	wrdreg $0x0  }
0xa8: {  	s4 =	sshll.u32 s28, $0x1;
	[dreg:$0x2] =	wrdreg s2  }
0xa9: {  	[dreg:$0x3] =	wrdreg s4  }
0xaa: {  	[dreg:$0x4] =	wrdreg $0xC0  }
0xab: {  	_ =	task [dreg:s6], $0x5FFFF  }
0xac: {  	[dreg:$0x1] =	wrdreg $0xFFFFFFFF  }
0xad: {  	[dreg:$0x0] =	wrdreg $0x60  }
0xae: {  	[dreg:$0x2] =	wrdreg s24  }
0xaf: {  	[dreg:$0x3] =	wrdreg $0x9  }
0xb0: {  	_ =	task.clear_ibuf [dreg:s6], $0x4FFFF;
	_ =	strace $0x90000046  }
0xb1: {  	s29 =	simm.s32 $0x9;
	_ =	strace $0x80000048  }
0xb2: {  	_ =	swait.ge [sflag:s29], $0x1  }
0xb3: {  	[sflag:s29] =	ssyncadd.s32 $0xFFFFFFFF  }
0xb4: {  	_ =	strace $0x90000048  }
0xb5: {  	_ =	sfence  }
0xb6: {  	s30 =	sld [smem:$0x0];
	_ =	sdelay $0x2  }
0xb7: {  	s31 =	sshll.u32 s1, $0xD;
	s1 =	sshrl.u32 s1, $0x2  }
0xb8: {  	s3 =	sand.u32 $0x4000, s31;
	s1 =	sadd.s32 s1, s30  }
0xb9: {  	s0 =	sor.u32 s3, s0;
	s1 =	sshll.u32 s1, $0x11  }
0xba: {  	s0 =	sor.u32 s1, s0  }
0xbb: {  	s0 =	sadd.s32 $0x8F2B, s0  }
0xbc: {  	[sflag:s0] =	ssyncadd.remote.s32 $0x1  }
0xbd: {  	_ =	sfence.sel $0xFFFF  }
0xbe: {  	[dreg:$0x0] =	wrdreg $0xFFFFFFFF;
	(pc) =	sbr.abs _section_cstart, $3  }
0xbf: {  	[dreg:$0x1] =	wrdreg $0xFFFFFFFF  }
0xc0: {  	_ =	task.clear_ibuf [dreg:s6], $0x2FFFF;
	_ =	strace $0x9FFFFFFF  }
0xc1: {  	(tm) =	ssettm $0x7FFFFFFF  }
tec
execute0_lowered:
.L_overlay_start_1:
0x0: {  	(tag) =	ssettag $0x1  }
0x1: {  	s0 =	rddreg [dreg:$0x0]  }
0x2: {  	s2 =	simm.s32 $0x0;
	s1 =	srdreg.scid;
	s3 =	stileid.u32  }
0x3: {  	s17 =	simm.s32 $0x1;
	s19 =	simm.s32 $0x10000;
	s20 =	simm.s32 $0x800  }
0x4: {  	s28 =	simm.s32 $0x4000;
	s29 =	simm.s32 $0x4800;
	s30 =	simm.s32 $0x5000  }
0x5: {  	s31 =	simm.s32 $0x5800;
	s10 =	simm.s32 $0x7800;
	s11 =	simm.s32 $0x8000  }
0x6: {  	s12 =	simm.s32 $0x8800;
	s13 =	simm.s32 $0x9000;
	s14 =	simm.s32 $0x9800  }
0x7: {  	s15 =	simm.s32 $0xA000;
	s16 =	simm.s32 $0xA800;
	[smem:$0x7FF] =	sst s2  }
0x8: {  	s1 =	sand.u32 $0x1, s1;
	s3 =	sshll.u32 s3, $0x8;
	s6 =	sadd.s32 $0x2E00, s0  }
0x9: {  	s7 =	sadd.s32 $0x52E00, s0;
	s4 =	sshll.u32 s1, $0x7;
	s1 =	ssub.s32 $0x2, s1  }
0xa: {  	_ =	strace $0x80000047;
	s4 =	sor.u32 s4, s3;
	s5 =	sshrl.u32 s1, $0x1  }
0xb: {  	s3 =	sadd.s32 $0x53000, s0;
	s8 =	sshll.u32 s4, $0x7;
	s1 =	ssub.s32 s1, s5  }
0xc: {  	s22 =	sshrl.u32 s4, $0x3;
	s9 =	sor.u32 $0x40, s4;
	s4 =	sadd.s32 $0x53100, s0  }
0xd: {  	s21 =	sand.u32 $0x3C000, s8;
	s23 =	sadd.s32 s7, s22;
	s24 =	sshll.u32 s9, $0x7  }
0xe: {  	s9 =	sshrl.u32 s9, $0x3;
	s22 =	simm.s32 $0x1800;
	s5 =	sadd.s32 s6, s21  }
0xf: {  	[dreg:$0x3] =	wrdreg s23;
	s25 =	sand.u32 $0x3E000, s24;
	s26 =	sadd.s32 s7, s9  }
0x10: {  	s7 =	smax.u32 s1, $0x1;
	s21 =	simm.s32 $0x1000;
	s23 =	simm.s32 $0x2000  }
0x11: {  	s24 =	simm.s32 $0x2800;
	s1 =	simm.s32 $0x6800;
	s9 =	simm.s32 $0x7000  }
0x12: {  	v2 =	vlaneseq.u32;
	[dreg:$0x2] =	wrdreg s5;
	s5 =	sadd.s32 $0x53200, s0;
	s8 =	sadd.s32 s6, s25  }
0x13: {  	vm0 =	vmmov $0xffff;
	v1 =	vshrl.u32 v2, $0x3;
	s6 =	sadd.s32 $0x53300, s0;
	[dreg:$0x5] =	wrdreg s26;
	s25 =	simm.s32 $0x3000  }
0x14: {  	v0 =	vand.u32 $0x7, v2;
	v2 =	vor.u32 $0x8, v2;
	v1 =	vmul.u32 $0x8, v1;
	s26 =	simm.s32 $0x3800;
	[dreg:$0x4] =	wrdreg s8;
	s8 =	simm.s32 $0x2  }
.LBB2_1:
0x15: {  	s18 =	rddreg [dreg:$0x2]  }
0x16: {  	[tilespmem:s2], [sflag:$0x2] =	stream.linear.gather [hbm4b:s18+s2], $0x10000, $0x38;
	[tilespmem:$0x10080] =	vst v63  }
0x17: {  	_ =	swait.ge [sflag:s8], $0x10000  }
0x18: {  	[sflag:s8] =	ssyncset.done $0x0  }
0x19: {  	s0 =	rddreg [dreg:$0x3];
	[sflag:s8] =	ssyncadd.s32 $0xFFFF0000  }
0x1a: {  	[tilespmem:s19], [sflag:$0x2] =	stream.linear.gather [hbm4b:s0+s2], $0x40, $0x38;
	[tilespmem:$0x10080] =	vst v63  }
0x1b: {  	_ =	swait.ge [sflag:s8], $0x40  }
0x1c: {  	[sflag:s8] =	ssyncset.done $0x0  }
0x1d: {  	[sflag:s8] =	ssyncadd.s32 $0xFFFFFFC0  }
0x1e: {  	v3 =	vld [tilespmem:$0x10000];
	_ =	sdelay $0x4  }
0x1f: {  	v4 =	vshll.u32 v3, $0x3  }
0x20: {  	v3 =	vand.u32 $0x7, v3;
	v4 =	vand.u32 $0xFFFFFFC0, v4  }
0x21: {  	v3 =	vor.u32 v3, v4  }
0x22: {  	v4 =	vperm.xlane v3, v0;
	_ =	sdelay $0x1  }
0x23: {  	v4 =	vadd.s32 v1, v4;
	_ =	sdelay $0x4  }
0x24: {  	[hbm4b:s3+s2] =	stream.indirect_vreg.scatter [tilespmem:s2], [sflag:$0x1], $0x80, v4, vm0, $0xb8;
	[tilespmem:$0x10080] =	vst v63  }
0x25: {  	v3 =	vperm.xlane v3, v2  }
0x26: {  	[hbm4b:s4+s2] =	stream.indirect_vreg.scatter [tilespmem:s20], [sflag:$0x1], $0x80, v4, vm0, $0xb8;
	[tilespmem:$0x10080] =	vst v63  }
0x27: {  	v3 =	vadd.s32 v1, v3  }
0x28: {  	[hbm4b:s5+s2] =	stream.indirect_vreg.scatter [tilespmem:s21], [sflag:$0x1], $0x80, v4, vm0, $0xb8;
	[tilespmem:$0x10080] =	vst v63  }
0x29: {  	_ = 	snop  }
0x2a: {  	[hbm4b:s6+s2] =	stream.indirect_vreg.scatter [tilespmem:s22], [sflag:$0x1], $0x80, v4, vm0, $0xb8;
	[tilespmem:$0x10080] =	vst v63  }
0x2b: {  	_ = 	snop  }
0x2c: {  	[hbm4b:s3+s2] =	stream.indirect_vreg.scatter [tilespmem:s23], [sflag:$0x1], $0x80, v3, vm0, $0xb8;
	[tilespmem:$0x10080] =	vst v63  }
0x2d: {  	_ = 	snop  }
0x2e: {  	[hbm4b:s4+s2] =	stream.indirect_vreg.scatter [tilespmem:s24], [sflag:$0x1], $0x80, v3, vm0, $0xb8;
	[tilespmem:$0x10080] =	vst v63  }
0x2f: {  	_ = 	snop  }
0x30: {  	[hbm4b:s5+s2] =	stream.indirect_vreg.scatter [tilespmem:s25], [sflag:$0x1], $0x80, v3, vm0, $0xb8;
	[tilespmem:$0x10080] =	vst v63  }
0x31: {  	_ = 	snop  }
0x32: {  	[hbm4b:s6+s2] =	stream.indirect_vreg.scatter [tilespmem:s26], [sflag:$0x1], $0x80, v3, vm0, $0xb8;
	[tilespmem:$0x10080] =	vst v63  }
0x33: {  	v3 =	vld [tilespmem:$0x10010];
	_ =	sdelay $0x4  }
0x34: {  	v57 =	vshll.u32 v3, $0x3  }
0x35: {  	v3 =	vand.u32 $0x7, v3;
	v4 =	vand.u32 $0xFFFFFFC0, v57  }
0x36: {  	v3 =	vor.u32 v3, v4  }
0x37: {  	v4 =	vperm.xlane v3, v0;
	_ =	sdelay $0x1  }
0x38: {  	v4 =	vadd.s32 v1, v4;
	_ =	sdelay $0x4  }
0x39: {  	[hbm4b:s3+s2] =	stream.indirect_vreg.scatter [tilespmem:s28], [sflag:$0x1], $0x80, v4, vm0, $0xb8;
	[tilespmem:$0x10080] =	vst v63  }
0x3a: {  	v3 =	vperm.xlane v3, v2  }
0x3b: {  	[hbm4b:s4+s2] =	stream.indirect_vreg.scatter [tilespmem:s29], [sflag:$0x1], $0x80, v4, vm0, $0xb8;
	[tilespmem:$0x10080] =	vst v63  }
0x3c: {  	v3 =	vadd.s32 v1, v3  }
0x3d: {  	[hbm4b:s5+s2] =	stream.indirect_vreg.scatter [tilespmem:s30], [sflag:$0x1], $0x80, v4, vm0, $0xb8;
	[tilespmem:$0x10080] =	vst v63  }
0x3e: {  	_ = 	snop  }
0x3f: {  	[hbm4b:s6+s2] =	stream.indirect_vreg.scatter [tilespmem:s31], [sflag:$0x1], $0x80, v4, vm0, $0xb8;
	[tilespmem:$0x10080] =	vst v63  }
0x40: {  	s0 =	simm.s32 $0x6000  }
0x41: {  	[hbm4b:s3+s2] =	stream.indirect_vreg.scatter [tilespmem:s0], [sflag:$0x1], $0x80, v3, vm0, $0xb8;
	[tilespmem:$0x10080] =	vst v63  }
0x42: {  	_ = 	snop  }
0x43: {  	[hbm4b:s4+s2] =	stream.indirect_vreg.scatter [tilespmem:s1], [sflag:$0x1], $0x80, v3, vm0, $0xb8;
	[tilespmem:$0x10080] =	vst v63  }
0x44: {  	_ = 	snop  }
0x45: {  	[hbm4b:s5+s2] =	stream.indirect_vreg.scatter [tilespmem:s9], [sflag:$0x1], $0x80, v3, vm0, $0xb8;
	[tilespmem:$0x10080] =	vst v63  }
0x46: {  	_ = 	snop  }
0x47: {  	[hbm4b:s6+s2] =	stream.indirect_vreg.scatter [tilespmem:s10], [sflag:$0x1], $0x80, v3, vm0, $0xb8;
	[tilespmem:$0x10080] =	vst v63  }
0x48: {  	v3 =	vld [tilespmem:$0x10020];
	_ =	sdelay $0x4  }
0x49: {  	v58 =	vshll.u32 v3, $0x3  }
0x4a: {  	v3 =	vand.u32 $0x7, v3;
	v4 =	vand.u32 $0xFFFFFFC0, v58  }
0x4b: {  	v3 =	vor.u32 v3, v4  }
0x4c: {  	v4 =	vperm.xlane v3, v0;
	_ =	sdelay $0x1  }
0x4d: {  	v4 =	vadd.s32 v1, v4;
	_ =	sdelay $0x4  }
0x4e: {  	[hbm4b:s3+s2] =	stream.indirect_vreg.scatter [tilespmem:s11], [sflag:$0x1], $0x80, v4, vm0, $0xb8;
	[tilespmem:$0x10080] =	vst v63  }
0x4f: {  	v3 =	vperm.xlane v3, v2  }
0x50: {  	[hbm4b:s4+s2] =	stream.indirect_vreg.scatter [tilespmem:s12], [sflag:$0x1], $0x80, v4, vm0, $0xb8;
	[tilespmem:$0x10080] =	vst v63  }
0x51: {  	v3 =	vadd.s32 v1, v3  }
0x52: {  	[hbm4b:s5+s2] =	stream.indirect_vreg.scatter [tilespmem:s13], [sflag:$0x1], $0x80, v4, vm0, $0xb8;
	[tilespmem:$0x10080] =	vst v63  }
0x53: {  	_ = 	snop  }
0x54: {  	[hbm4b:s6+s2] =	stream.indirect_vreg.scatter [tilespmem:s14], [sflag:$0x1], $0x80, v4, vm0, $0xb8;
	[tilespmem:$0x10080] =	vst v63  }
0x55: {  	_ = 	snop  }
0x56: {  	[hbm4b:s3+s2] =	stream.indirect_vreg.scatter [tilespmem:s15], [sflag:$0x1], $0x80, v3, vm0, $0xb8;
	[tilespmem:$0x10080] =	vst v63  }
0x57: {  	_ = 	snop  }
0x58: {  	[hbm4b:s4+s2] =	stream.indirect_vreg.scatter [tilespmem:s16], [sflag:$0x1], $0x80, v3, vm0, $0xb8;
	[tilespmem:$0x10080] =	vst v63  }
0x59: {  	s18 =	simm.s32 $0xB000  }
0x5a: {  	[hbm4b:s5+s2] =	stream.indirect_vreg.scatter [tilespmem:s18], [sflag:$0x1], $0x80, v3, vm0, $0xb8;
	[tilespmem:$0x10080] =	vst v63  }
0x5b: {  	s18 =	simm.s32 $0xB800  }
0x5c: {  	[hbm4b:s6+s2] =	stream.indirect_vreg.scatter [tilespmem:s18], [sflag:$0x1], $0x80, v3, vm0, $0xb8;
	[tilespmem:$0x10080] =	vst v63  }
0x5d: {  	v3 =	vld [tilespmem:$0x10030];
	_ =	sdelay $0x4  }
0x5e: {  	v59 =	vshll.u32 v3, $0x3  }
0x5f: {  	v3 =	vand.u32 $0x7, v3;
	v4 =	vand.u32 $0xFFFFFFC0, v59  }
0x60: {  	v3 =	vor.u32 v3, v4  }
0x61: {  	v4 =	vperm.xlane v3, v0;
	_ =	sdelay $0x1  }
0x62: {  	v4 =	vadd.s32 v1, v4;
	_ =	sdelay $0x3  }
0x63: {  	s18 =	simm.s32 $0xC000  }
0x64: {  	[hbm4b:s3+s2] =	stream.indirect_vreg.scatter [tilespmem:s18], [sflag:$0x1], $0x80, v4, vm0, $0xb8;
	[tilespmem:$0x10080] =	vst v63  }
0x65: {  	v3 =	vperm.xlane v3, v2;
	s18 =	simm.s32 $0xC800  }
0x66: {  	[hbm4b:s4+s2] =	stream.indirect_vreg.scatter [tilespmem:s18], [sflag:$0x1], $0x80, v4, vm0, $0xb8;
	[tilespmem:$0x10080] =	vst v63  }
0x67: {  	v3 =	vadd.s32 v1, v3;
	s18 =	simm.s32 $0xD000  }
0x68: {  	[hbm4b:s5+s2] =	stream.indirect_vreg.scatter [tilespmem:s18], [sflag:$0x1], $0x80, v4, vm0, $0xb8;
	[tilespmem:$0x10080] =	vst v63  }
0x69: {  	s18 =	simm.s32 $0xD800  }
0x6a: {  	[hbm4b:s6+s2] =	stream.indirect_vreg.scatter [tilespmem:s18], [sflag:$0x1], $0x80, v4, vm0, $0xb8;
	[tilespmem:$0x10080] =	vst v63  }
0x6b: {  	s18 =	simm.s32 $0xE000  }
0x6c: {  	[hbm4b:s3+s2] =	stream.indirect_vreg.scatter [tilespmem:s18], [sflag:$0x1], $0x80, v3, vm0, $0xb8;
	[tilespmem:$0x10080] =	vst v63  }
0x6d: {  	s18 =	simm.s32 $0xE800  }
0x6e: {  	[hbm4b:s4+s2] =	stream.indirect_vreg.scatter [tilespmem:s18], [sflag:$0x1], $0x80, v3, vm0, $0xb8;
	[tilespmem:$0x10080] =	vst v63  }
0x6f: {  	s18 =	simm.s32 $0xF000  }
0x70: {  	[hbm4b:s5+s2] =	stream.indirect_vreg.scatter [tilespmem:s18], [sflag:$0x1], $0x80, v3, vm0, $0xb8;
	[tilespmem:$0x10080] =	vst v63  }
0x71: {  	s18 =	simm.s32 $0xF800  }
0x72: {  	[hbm4b:s6+s2] =	stream.indirect_vreg.scatter [tilespmem:s18], [sflag:$0x1], $0x80, v3, vm0, $0xb8;
	[tilespmem:$0x10080] =	vst v63  }
0x73: {  	_ =	swait.ge [sflag:s17], $0x10000  }
0x74: {  	[sflag:s17] =	ssyncset.done $0x0  }
0x75: {  	s18 =	rddreg [dreg:$0x4];
	[sflag:s17] =	ssyncadd.s32 $0xFFFF0000  }
0x76: {  	[tilespmem:s2], [sflag:$0x2] =	stream.linear.gather [hbm4b:s18+s2], $0x10000, $0x38;
	[tilespmem:$0x10080] =	vst v63  }
0x77: {  	_ =	swait.ge [sflag:s8], $0x10000  }
0x78: {  	[sflag:s8] =	ssyncset.done $0x0  }
0x79: {  	s18 =	rddreg [dreg:$0x5];
	[sflag:s8] =	ssyncadd.s32 $0xFFFF0000  }
0x7a: {  	[tilespmem:s19], [sflag:$0x2] =	stream.linear.gather [hbm4b:s18+s2], $0x40, $0x38;
	[tilespmem:$0x10080] =	vst v63  }
0x7b: {  	_ =	swait.ge [sflag:s8], $0x40  }
0x7c: {  	[sflag:s8] =	ssyncset.done $0x0  }
0x7d: {  	[sflag:s8] =	ssyncadd.s32 $0xFFFFFFC0  }
0x7e: {  	v3 =	vld [tilespmem:$0x10000];
	_ =	sdelay $0x4  }
0x7f: {  	v60 =	vshll.u32 v3, $0x3  }
0x80: {  	v3 =	vand.u32 $0x7, v3;
	v4 =	vand.u32 $0xFFFFFFC0, v60  }
0x81: {  	v3 =	vor.u32 v3, v4  }
0x82: {  	v4 =	vperm.xlane v3, v0;
	_ =	sdelay $0x1  }
0x83: {  	v4 =	vadd.s32 v1, v4;
	_ =	sdelay $0x4  }
0x84: {  	[hbm4b:s3+s2] =	stream.indirect_vreg.scatter [tilespmem:s2], [sflag:$0x1], $0x80, v4, vm0, $0xb8;
	[tilespmem:$0x10080] =	vst v63  }
0x85: {  	v3 =	vperm.xlane v3, v2  }
0x86: {  	[hbm4b:s4+s2] =	stream.indirect_vreg.scatter [tilespmem:s20], [sflag:$0x1], $0x80, v4, vm0, $0xb8;
	[tilespmem:$0x10080] =	vst v63  }
0x87: {  	v3 =	vadd.s32 v1, v3  }
0x88: {  	[hbm4b:s5+s2] =	stream.indirect_vreg.scatter [tilespmem:s21], [sflag:$0x1], $0x80, v4, vm0, $0xb8;
	[tilespmem:$0x10080] =	vst v63  }
0x89: {  	_ = 	snop  }
0x8a: {  	[hbm4b:s6+s2] =	stream.indirect_vreg.scatter [tilespmem:s22], [sflag:$0x1], $0x80, v4, vm0, $0xb8;
	[tilespmem:$0x10080] =	vst v63  }
0x8b: {  	_ = 	snop  }
0x8c: {  	[hbm4b:s3+s2] =	stream.indirect_vreg.scatter [tilespmem:s23], [sflag:$0x1], $0x80, v3, vm0, $0xb8;
	[tilespmem:$0x10080] =	vst v63  }
0x8d: {  	_ = 	snop  }
0x8e: {  	[hbm4b:s4+s2] =	stream.indirect_vreg.scatter [tilespmem:s24], [sflag:$0x1], $0x80, v3, vm0, $0xb8;
	[tilespmem:$0x10080] =	vst v63  }
0x8f: {  	_ = 	snop  }
0x90: {  	[hbm4b:s5+s2] =	stream.indirect_vreg.scatter [tilespmem:s25], [sflag:$0x1], $0x80, v3, vm0, $0xb8;
	[tilespmem:$0x10080] =	vst v63  }
0x91: {  	_ = 	snop  }
0x92: {  	[hbm4b:s6+s2] =	stream.indirect_vreg.scatter [tilespmem:s26], [sflag:$0x1], $0x80, v3, vm0, $0xb8;
	[tilespmem:$0x10080] =	vst v63  }
0x93: {  	v3 =	vld [tilespmem:$0x10010];
	_ =	sdelay $0x4  }
0x94: {  	v61 =	vshll.u32 v3, $0x3  }
0x95: {  	v3 =	vand.u32 $0x7, v3;
	v4 =	vand.u32 $0xFFFFFFC0, v61  }
0x96: {  	v3 =	vor.u32 v3, v4  }
0x97: {  	v4 =	vperm.xlane v3, v0;
	_ =	sdelay $0x1  }
0x98: {  	v4 =	vadd.s32 v1, v4;
	_ =	sdelay $0x4  }
0x99: {  	[hbm4b:s3+s2] =	stream.indirect_vreg.scatter [tilespmem:s28], [sflag:$0x1], $0x80, v4, vm0, $0xb8;
	[tilespmem:$0x10080] =	vst v63  }
0x9a: {  	v3 =	vperm.xlane v3, v2  }
0x9b: {  	[hbm4b:s4+s2] =	stream.indirect_vreg.scatter [tilespmem:s29], [sflag:$0x1], $0x80, v4, vm0, $0xb8;
	[tilespmem:$0x10080] =	vst v63  }
0x9c: {  	v3 =	vadd.s32 v1, v3  }
0x9d: {  	[hbm4b:s5+s2] =	stream.indirect_vreg.scatter [tilespmem:s30], [sflag:$0x1], $0x80, v4, vm0, $0xb8;
	[tilespmem:$0x10080] =	vst v63  }
0x9e: {  	_ = 	snop  }
0x9f: {  	[hbm4b:s6+s2] =	stream.indirect_vreg.scatter [tilespmem:s31], [sflag:$0x1], $0x80, v4, vm0, $0xb8;
	[tilespmem:$0x10080] =	vst v63  }
0xa0: {  	_ = 	snop  }
0xa1: {  	[hbm4b:s3+s2] =	stream.indirect_vreg.scatter [tilespmem:s0], [sflag:$0x1], $0x80, v3, vm0, $0xb8;
	[tilespmem:$0x10080] =	vst v63  }
0xa2: {  	_ = 	snop  }
0xa3: {  	[hbm4b:s4+s2] =	stream.indirect_vreg.scatter [tilespmem:s1], [sflag:$0x1], $0x80, v3, vm0, $0xb8;
	[tilespmem:$0x10080] =	vst v63  }
0xa4: {  	_ = 	snop  }
0xa5: {  	[hbm4b:s5+s2] =	stream.indirect_vreg.scatter [tilespmem:s9], [sflag:$0x1], $0x80, v3, vm0, $0xb8;
	[tilespmem:$0x10080] =	vst v63  }
0xa6: {  	_ = 	snop  }
0xa7: {  	[hbm4b:s6+s2] =	stream.indirect_vreg.scatter [tilespmem:s10], [sflag:$0x1], $0x80, v3, vm0, $0xb8;
	[tilespmem:$0x10080] =	vst v63  }
0xa8: {  	v3 =	vld [tilespmem:$0x10020];
	_ =	sdelay $0x4  }
0xa9: {  	v62 =	vshll.u32 v3, $0x3  }
0xaa: {  	v3 =	vand.u32 $0x7, v3;
	v4 =	vand.u32 $0xFFFFFFC0, v62  }
0xab: {  	v3 =	vor.u32 v3, v4  }
0xac: {  	v4 =	vperm.xlane v3, v0;
	_ =	sdelay $0x1  }
0xad: {  	v4 =	vadd.s32 v1, v4;
	_ =	sdelay $0x4  }
0xae: {  	[hbm4b:s3+s2] =	stream.indirect_vreg.scatter [tilespmem:s11], [sflag:$0x1], $0x80, v4, vm0, $0xb8;
	[tilespmem:$0x10080] =	vst v63  }
0xaf: {  	v3 =	vperm.xlane v3, v2  }
0xb0: {  	[hbm4b:s4+s2] =	stream.indirect_vreg.scatter [tilespmem:s12], [sflag:$0x1], $0x80, v4, vm0, $0xb8;
	[tilespmem:$0x10080] =	vst v63  }
0xb1: {  	v3 =	vadd.s32 v1, v3  }
0xb2: {  	[hbm4b:s5+s2] =	stream.indirect_vreg.scatter [tilespmem:s13], [sflag:$0x1], $0x80, v4, vm0, $0xb8;
	[tilespmem:$0x10080] =	vst v63  }
0xb3: {  	_ = 	snop  }
0xb4: {  	[hbm4b:s6+s2] =	stream.indirect_vreg.scatter [tilespmem:s14], [sflag:$0x1], $0x80, v4, vm0, $0xb8;
	[tilespmem:$0x10080] =	vst v63  }
0xb5: {  	_ = 	snop  }
0xb6: {  	[hbm4b:s3+s2] =	stream.indirect_vreg.scatter [tilespmem:s15], [sflag:$0x1], $0x80, v3, vm0, $0xb8;
	[tilespmem:$0x10080] =	vst v63  }
0xb7: {  	_ = 	snop  }
0xb8: {  	[hbm4b:s4+s2] =	stream.indirect_vreg.scatter [tilespmem:s16], [sflag:$0x1], $0x80, v3, vm0, $0xb8;
	[tilespmem:$0x10080] =	vst v63  }
0xb9: {  	s18 =	simm.s32 $0xB000  }
0xba: {  	[hbm4b:s5+s2] =	stream.indirect_vreg.scatter [tilespmem:s18], [sflag:$0x1], $0x80, v3, vm0, $0xb8;
	[tilespmem:$0x10080] =	vst v63  }
0xbb: {  	s18 =	simm.s32 $0xB800  }
0xbc: {  	[hbm4b:s6+s2] =	stream.indirect_vreg.scatter [tilespmem:s18], [sflag:$0x1], $0x80, v3, vm0, $0xb8;
	[tilespmem:$0x10080] =	vst v63  }
0xbd: {  	v3 =	vld [tilespmem:$0x10030];
	_ =	sdelay $0x4  }
0xbe: {  	v63 =	vshll.u32 v3, $0x3  }
0xbf: {  	v3 =	vand.u32 $0x7, v3;
	v4 =	vand.u32 $0xFFFFFFC0, v63  }
0xc0: {  	v3 =	vor.u32 v3, v4  }
0xc1: {  	v4 =	vperm.xlane v3, v0;
	_ =	sdelay $0x1  }
0xc2: {  	v4 =	vadd.s32 v1, v4;
	_ =	sdelay $0x3  }
0xc3: {  	s18 =	simm.s32 $0xC000  }
0xc4: {  	[hbm4b:s3+s2] =	stream.indirect_vreg.scatter [tilespmem:s18], [sflag:$0x1], $0x80, v4, vm0, $0xb8;
	[tilespmem:$0x10080] =	vst v63  }
0xc5: {  	v3 =	vperm.xlane v3, v2;
	s18 =	simm.s32 $0xC800  }
0xc6: {  	[hbm4b:s4+s2] =	stream.indirect_vreg.scatter [tilespmem:s18], [sflag:$0x1], $0x80, v4, vm0, $0xb8;
	[tilespmem:$0x10080] =	vst v63  }
0xc7: {  	v3 =	vadd.s32 v1, v3;
	s18 =	simm.s32 $0xD000  }
0xc8: {  	[hbm4b:s5+s2] =	stream.indirect_vreg.scatter [tilespmem:s18], [sflag:$0x1], $0x80, v4, vm0, $0xb8;
	[tilespmem:$0x10080] =	vst v63  }
0xc9: {  	s18 =	simm.s32 $0xD800  }
0xca: {  	[hbm4b:s6+s2] =	stream.indirect_vreg.scatter [tilespmem:s18], [sflag:$0x1], $0x80, v4, vm0, $0xb8;
	[tilespmem:$0x10080] =	vst v63  }
0xcb: {  	s18 =	simm.s32 $0xE000  }
0xcc: {  	[hbm4b:s3+s2] =	stream.indirect_vreg.scatter [tilespmem:s18], [sflag:$0x1], $0x80, v3, vm0, $0xb8;
	[tilespmem:$0x10080] =	vst v63  }
0xcd: {  	s18 =	simm.s32 $0xE800  }
0xce: {  	[hbm4b:s4+s2] =	stream.indirect_vreg.scatter [tilespmem:s18], [sflag:$0x1], $0x80, v3, vm0, $0xb8;
	[tilespmem:$0x10080] =	vst v63  }
0xcf: {  	p0 =	sne.s32 s7, $0x1;
	s18 =	simm.s32 $0xF000  }
0xd0: {  	[hbm4b:s5+s2] =	stream.indirect_vreg.scatter [tilespmem:s18], [sflag:$0x1], $0x80, v3, vm0, $0xb8;
	[tilespmem:$0x10080] =	vst v63  }
.Ltmp0:
0xd1: {  	s18 =	simm.s32 $0xF800;
	(pc) =	sbr.rel @p0 .LBB2_1-.Ltmp0, $4  }
0xd2: {  	[hbm4b:s6+s2] =	stream.indirect_vreg.scatter [tilespmem:s18], [sflag:$0x1], $0x80, v3, vm0, $0xb8;
	[tilespmem:$0x10080] =	vst v63  }
0xd3: {  	_ =	swait.ge [sflag:s17], $0x10000  }
0xd4: {  	[sflag:s17] =	ssyncset.done $0x0  }
0xd5: {  	s7 =	sadd.s32 $0xFFFFFFFF, s7;
	[sflag:s17] =	ssyncadd.s32 $0xFFFF0000  }
0xd6: {  	_ =	sfence.sel $0x180000  }
0xd7: {  	[bflag:$0x0] =	sbarrier.arrive $0xFFFF  }
0xd8: {  	_ =	strace $0x90000047  }
0xd9: {  	s0 =	stileid.u32;
	[bflag:$0x2] =	sbarrier.arrive $0xFFFF  }
0xda: {  	p0 =	sne.s32 s0, $0x0;
	s0 =	rddreg [dreg:$0x1]  }
0xdb: {  	s0 =	sadd.s32 @!p0 $0x100000, s0  }
0xdc: {  	[sflag:s0] =	ssyncadd.tile.s32 @!p0 $0x1;
	_ =	shalt  }
.Lfunc_end2:
_tile_overlayer_lowered:
.L_overlay_start_2:
0xdd: {  	(tag) =	ssettag $0x2  }
0xde: {  	s0 =	rddreg [dreg:$0x0];
	s2 =	stileid.u32  }
0xdf: {  	s1 =	rddreg [dreg:$0x1];
	p0 =	sne.s32 s2, $0x0  }
0xe0: {  	s3 =	rddreg [dreg:$0x2];
	[bflag:$0x3] =	sbarrier.arrive $0xFFFF;
	s2 =	simm.s32 @!p0 $0x1C02  }
0xe1: {  	[timem:s3], [sflag:s2] =	dma.local @!p0 [hbm:s0], s1  }
0xe2: {  	s0 =	simm.s32 @!p0 $0x2  }
0xe3: {  	_ =	swait.ge @!p0 [sflag:s0], s1  }
0xe4: {  	s1 =	ssub.s32 @!p0 $0x0, s1;
	[sflag:s0] =	ssyncset.done @!p0 $0x0  }
0xe5: {  	[sflag:s0] =	ssyncadd.s32 @!p0 s1  }
0xe6: {  	[bflag:$0x3] =	sbarrier.arrive $0xFFFF  }
0xe7: {  	_ =	shalt  }

// kernel: kernel.13.cloned.1.call-start
scs
__scs_entry_jumppad:
0x0: {  	(pc) =	sbr.rel $0x88, $3  }
0x1: {  	(tag) =	ssettag $0x0;
	lr =	simm.s32 $0x1  }
0x2: {  	[smem:$0x3F96] =	sst lr;
	_ =	strace $0xD0000000  }
0x3: {  	_ = 	snop  }
0x4: {  	_ = 	snop  }
0x5: {  	_ = 	snop  }
0x6: {  	_ = 	snop  }
0x7: {  	_ = 	snop  }
__scs_overlays_trampoline_lowered:
0x8: {  	[smem:$0x3FA5] =	sst s0  }
0x9: {  	[smem:$0x3FA6] =	sst s1  }
0xa: {  	[smem:$0x3FA7] =	sst s2  }
0xb: {  	[smem:$0x3FA8] =	sst s3  }
0xc: {  	[smem:$0x3FA9] =	sst s4  }
0xd: {  	[smem:$0x3FAA] =	sst s5  }
0xe: {  	[smem:$0x3FAB] =	sst s6  }
0xf: {  	[smem:$0x3FAC] =	sst s7  }
0x10: {  	[smem:$0x3FAD] =	sst s8  }
0x11: {  	[smem:$0x3FAE] =	sst s9;
	s0 =	simm.s32 @!p0 $0x0  }
0x12: {  	s1 =	sld [smem:$0x3F94];
	s0 =	simm.s32 @p0 $0x1  }
0x13: {  	[smem:$0x3FAF] =	sst s0;
	s0 =	simm.s32 @!p1 $0x0  }
0x14: {  	s2 =	sld [smem:$0x3F93];
	s0 =	simm.s32 @p1 $0x1  }
0x15: {  	[smem:$0x3FB0] =	sst s0;
	s0 =	simm.s32 @!p2 $0x0  }
0x16: {  	s3 =	sld [smem:$0x3FDB];
	s0 =	simm.s32 @p2 $0x1  }
0x17: {  	s4 =	simm.s32 $0x1BF5;
	[smem:$0x3FB2] =	sst s0  }
0x18: {  	s0 =	sld [smem:$0x3F95];
	_ =	swait.ge [sflag:s4], $0x0  }
0x19: {  	s7 =	sld [smem:$0x3F96]  }
0x1a: {  	s8 =	sadd.s32 $0xFFFFE003, lr  }
0x1b: {  	s9 =	sadd.s32 $0xFFFFFEF7, lr;
	s5 =	simm.s32 $0xFFFFFFFF;
	p2 =	slt.u32 s8, $0xFFFFF086  }
0x1c: {  	p1 =	slt.u32 s9, $0xF7A;
	s5 =	simm.s32 @!p2 $0x0  }
0x1d: {  	s5 =	simm.s32 @p1 $0x1;
	p0 =	seq.s32 s7, s2  }
0x1e: {  	s7 =	smul.u32 @!p0 $0xF7A, s2;
	p2 =	seq.s32 @!p0 s5, $0x0  }
0x1f: {  	s9 =	smul.u32 $0xF7A, s1;
	s8 =	simm.s32 @!p0 $0x1BF5;
	p2 =	por !p2, p0  }
0x20: {  	[sflag:s8] =	ssyncset.s32 @!p0 $0xFFFFF086;
	s6 =	sadd.s32 @!p0 s3, s7;
	s7 =	simm.s32 @!p0 $0x108  }
0x21: {  	s3 =	sadd.s32 s3, s9;
	s6 =	sadd.s32 @!p0 $0x88, s6;
	s7 =	simm.s32 @p2 $0x1082  }
0x22: {  	[simem:s7], [sflag:s8] =	dma.local @!p0 [hbm:s6], $0xF7A  }
0x23: {  	s9 =	sor.u32 $0xD0000000, s2;
	s6 =	simm.s32 $0x108;
	_ =	swait.ge @!p0 [sflag:s8], $0x0  }
0x24: {  	s3 =	sadd.s32 $0x88, s3;
	s6 =	simm.s32 @!p1 $0x1082;
	[sflag:s4] =	ssyncset.s32 $0xFFFFF086  }
0x25: {  	[simem:s6], [sflag:s4] =	dma.local [hbm:s3], $0xF7A  }
0x26: {  	[smem:$0x3F96] =	sst s1;
	(tag) =	ssettag s2;
	_ =	strace s9  }
0x27: {  	s1 =	sld [smem:$0x3FA6]  }
0x28: {  	s2 =	sld [smem:$0x3FA7]  }
0x29: {  	s4 =	sld [smem:$0x3FA9]  }
0x2a: {  	p0 =	seq.s32 s5, $0x0;
	s5 =	sld [smem:$0x3FAA]  }
0x2b: {  	s6 =	sld [smem:$0x3FAB]  }
0x2c: {  	s7 =	sld [smem:$0x3FAC]  }
0x2d: {  	s3 =	simm.s32 $0x108;
	s8 =	sld [smem:$0x3FAD]  }
0x2e: {  	s3 =	simm.s32 @!p0 $0x1082;
	s9 =	sld [smem:$0x3FAE]  }
0x2f: {  	lr =	sadd.s32 s0, s3;
	s0 =	sld [smem:$0x3FA5]  }
0x30: {  	s3 =	sld [smem:$0x3FA8]  }
0x31: {  	[smem:$0x3FB1] =	sst s10  }
0x32: {  	s10 =	sld [smem:$0x3FAF];
	_ =	sdelay $0x3  }
0x33: {  	p0 =	seq.s32 s10, $0x1;
	s10 =	sld [smem:$0x3FB1];
	_ =	sdelay $0x3  }
0x34: {  	[smem:$0x3FB1] =	sst s10  }
0x35: {  	s10 =	sld [smem:$0x3FB0];
	_ =	sdelay $0x3  }
0x36: {  	p1 =	seq.s32 s10, $0x1;
	s10 =	sld [smem:$0x3FB1];
	_ =	sdelay $0x3  }
0x37: {  	[smem:$0x3FB1] =	sst s10  }
0x38: {  	s10 =	sld [smem:$0x3FB2]  }
0x39: {  	_ = 	snop;
	(pc) =	sbr.ind lr, $3  }
0x3a: {  	_ = 	snop  }
0x3b: {  	_ = 	snop  }
0x3c: {  	p2 =	seq.s32 s10, $0x1;
	s10 =	sld [smem:$0x3FB1]  }
0x3d: {  	_ =	shalt  }
0x3e: {  	_ =	shalt  }
0x3f: {  	_ =	shalt  }
0x40: {  	_ =	shalt  }
0x41: {  	_ =	shalt  }
0x42: {  	_ =	shalt  }
0x43: {  	_ =	shalt  }
0x44: {  	_ =	shalt  }
0x45: {  	_ =	shalt  }
0x46: {  	_ =	shalt  }
0x47: {  	_ =	shalt  }
0x48: {  	_ =	shalt  }
0x49: {  	_ =	shalt  }
0x4a: {  	_ =	shalt  }
0x4b: {  	_ =	shalt  }
0x4c: {  	_ =	shalt  }
0x4d: {  	_ =	shalt  }
0x4e: {  	_ =	shalt  }
0x4f: {  	_ =	shalt  }
0x50: {  	_ =	shalt  }
0x51: {  	_ =	shalt  }
0x52: {  	_ =	shalt  }
0x53: {  	_ =	shalt  }
0x54: {  	_ =	shalt  }
0x55: {  	_ =	shalt  }
0x56: {  	_ =	shalt  }
0x57: {  	_ =	shalt  }
0x58: {  	_ =	shalt  }
0x59: {  	_ =	shalt  }
0x5a: {  	_ =	shalt  }
0x5b: {  	_ =	shalt  }
0x5c: {  	_ =	shalt  }
0x5d: {  	_ =	shalt  }
0x5e: {  	_ =	shalt  }
0x5f: {  	_ =	shalt  }
0x60: {  	_ =	shalt  }
0x61: {  	_ =	shalt  }
0x62: {  	_ =	shalt  }
0x63: {  	_ =	shalt  }
0x64: {  	_ =	shalt  }
0x65: {  	_ =	shalt  }
0x66: {  	_ =	shalt  }
0x67: {  	_ =	shalt  }
0x68: {  	_ =	shalt  }
0x69: {  	_ =	shalt  }
0x6a: {  	_ =	shalt  }
0x6b: {  	_ =	shalt  }
0x6c: {  	_ =	shalt  }
0x6d: {  	_ =	shalt  }
0x6e: {  	_ =	shalt  }
0x6f: {  	_ =	shalt  }
0x70: {  	_ =	shalt  }
0x71: {  	_ =	shalt  }
0x72: {  	_ =	shalt  }
0x73: {  	_ =	shalt  }
0x74: {  	_ =	shalt  }
0x75: {  	_ =	shalt  }
0x76: {  	_ =	shalt  }
0x77: {  	_ =	shalt  }
0x78: {  	_ =	shalt  }
0x79: {  	_ =	shalt  }
0x7a: {  	_ =	shalt  }
0x7b: {  	_ =	shalt  }
0x7c: {  	_ =	shalt  }
0x7d: {  	_ =	shalt  }
0x7e: {  	_ =	shalt  }
0x7f: {  	_ =	shalt  }
0x80: {  	_ =	shalt  }
0x81: {  	_ =	shalt  }
0x82: {  	_ =	shalt  }
0x83: {  	_ =	shalt  }
0x84: {  	_ =	shalt  }
0x85: {  	_ =	shalt  }
0x86: {  	_ =	shalt  }
0x87: {  	_ =	shalt  }
.Lfunc_end0:
.L_simem_size_0:
called_computation.1_lowered:
.L_overlay_start_0:
0x88: {  	s2 =	sld [smem:$0x3FD9]  }
0x89: {  	s3 =	sld [smem:$0x3FFE];
	_ =	sdelay $0x1  }
0x8a: {  	s1 =	srdreg.scid  }
0x8b: {  	s0 =	sand.u32 $0x1, s1  }
0x8c: {  	s16 =	sshll.u32 s0, $0xA;
	s2 =	sadd.s32 s3, s2  }
0x8d: {  	s2 =	sadd.s32 s2, s16  }
0x8e: {  	[smem:$0x3FBD] =	sst s2  }
0x8f: {  	_ = 	snop  }
0x90: {  	(tm) =	ssettm $0x1  }
0x91: {  	s17 =	sld [smem:$0x3FFB];
	_ =	sdelay $0x3  }
0x92: {  	_ =	strace s17  }
0x93: {  	s2 =	sld [smem:$0x3FFC];
	_ =	sdelay $0x3  }
0x94: {  	_ =	strace s2  }
0x95: {  	s2 =	sld [smem:$0x3FFD];
	_ =	sdelay $0x3  }
0x96: {  	_ =	strace s2  }
0x97: {  	_ =	strace $0x8FFFFFFF  }
0x98: {  	s18 =	sld [smem:$0x3FDB];
	_ =	sdelay $0x1  }
0x99: {  	s19 =	simm.s32 $_scs_section_size  }
0x9a: {  	s4 =	simm.s32 $_size__tile_overlayer_lowered;
	s5 =	simm.s32 $_tile_overlayer_lowered  }
0x9b: {  	s22 =	simm.s32 $0x1BFF;
	s21 =	sshll.u32 s5, $0x1;
	s2 =	sadd.s32 s19, s18  }
0x9c: {  	s6 =	simm.s32 $0x0;
	s20 =	sshll.u32 s4, $0x1;
	s4 =	sadd.s32 s21, s2  }
0x9d: {  	[timem:s6], [sflag:s22] =	dma.local [hbm:s4], s20  }
0x9e: {  	_ =	swait.ge [sflag:s22], s20  }
0x9f: {  	s3 =	ssub.s32 $0x0, s20;
	[sflag:s22] =	ssyncset.done $0x0  }
0xa0: {  	[sflag:s22] =	ssyncadd.s32 s3;
	_ =	sdelay $0x1  }
0xa1: {  	s23 =	simm.s32 $0x1B8B  }
0xa2: {  	_ =	swait.ge [sflag:s23], $0x1  }
0xa3: {  	[sflag:s23] =	ssyncset.done $0x0  }
0xa4: {  	s25 =	simm.s32 $0x1B8E;
	s24 =	sld [smem:$0x3FFE];
	[sflag:s23] =	ssyncadd.s32 $0xFFFFFFFF  }
0xa5: {  	s26 =	simm.s32 $execute0_lowered;
	[smem:$0x3FD2] =	sst s25  }
0xa6: {  	s4 =	sshll.u32 s26, $0x1;
	_ =	strace $0x80000049;
	[dreg:$0x1] =	wrdreg $0xFFFFFFFF  }
0xa7: {  	s28 =	simm.s32 $_size_execute0_lowered;
	s2 =	sadd.s32 s2, s4;
	[dreg:$0x0] =	wrdreg $0x0  }
0xa8: {  	s4 =	sshll.u32 s28, $0x1;
	[dreg:$0x2] =	wrdreg s2  }
0xa9: {  	[dreg:$0x3] =	wrdreg s4  }
0xaa: {  	[dreg:$0x4] =	wrdreg $0xC0  }
0xab: {  	_ =	task [dreg:s6], $0x5FFFF  }
0xac: {  	[dreg:$0x1] =	wrdreg $0xFFFFFFFF  }
0xad: {  	[dreg:$0x0] =	wrdreg $0x60  }
0xae: {  	[dreg:$0x2] =	wrdreg s24  }
0xaf: {  	[dreg:$0x3] =	wrdreg $0x9  }
0xb0: {  	_ =	task.clear_ibuf [dreg:s6], $0x4FFFF;
	_ =	strace $0x90000049  }
0xb1: {  	s29 =	simm.s32 $0x9;
	_ =	strace $0x8000004B  }
0xb2: {  	_ =	swait.ge [sflag:s29], $0x1  }
0xb3: {  	[sflag:s29] =	ssyncadd.s32 $0xFFFFFFFF  }
0xb4: {  	_ =	strace $0x9000004B  }
0xb5: {  	_ =	sfence  }
0xb6: {  	s30 =	sld [smem:$0x0];
	_ =	sdelay $0x2  }
0xb7: {  	s31 =	sshll.u32 s1, $0xD;
	s1 =	sshrl.u32 s1, $0x2  }
0xb8: {  	s3 =	sand.u32 $0x4000, s31;
	s1 =	sadd.s32 s1, s30  }
0xb9: {  	s0 =	sor.u32 s3, s0;
	s1 =	sshll.u32 s1, $0x11  }
0xba: {  	s0 =	sor.u32 s1, s0  }
0xbb: {  	s0 =	sadd.s32 $0x8F2B, s0  }
0xbc: {  	[sflag:s0] =	ssyncadd.remote.s32 $0x1  }
0xbd: {  	_ =	sfence.sel $0xFFFF  }
0xbe: {  	[dreg:$0x0] =	wrdreg $0xFFFFFFFF;
	(pc) =	sbr.abs _section_cstart, $3  }
0xbf: {  	[dreg:$0x1] =	wrdreg $0xFFFFFFFF  }
0xc0: {  	_ =	task.clear_ibuf [dreg:s6], $0x2FFFF;
	_ =	strace $0x9FFFFFFF  }
0xc1: {  	(tm) =	ssettm $0x7FFFFFFF  }
tec
execute0_lowered:
.L_overlay_start_1:
0x0: {  	(tag) =	ssettag $0x1  }
0x1: {  	s0 =	rddreg [dreg:$0x0];
	s1 =	srdreg.scid  }
0x2: {  	s2 =	simm.s32 $0x0;
	s3 =	stileid.u32;
	s9 =	simm.s32 $0x2  }
0x3: {  	s17 =	simm.s32 $0x1;
	s19 =	simm.s32 $0x10000;
	s20 =	simm.s32 $0x800  }
0x4: {  	s21 =	simm.s32 $0x1000;
	s22 =	simm.s32 $0x1800;
	s28 =	simm.s32 $0x4000  }
0x5: {  	s29 =	simm.s32 $0x4800;
	s30 =	simm.s32 $0x5000;
	s31 =	simm.s32 $0x5800  }
0x6: {  	s10 =	simm.s32 $0x7800;
	s11 =	simm.s32 $0x8000;
	s12 =	simm.s32 $0x8800  }
0x7: {  	s13 =	simm.s32 $0x9000;
	s14 =	simm.s32 $0x9800;
	s15 =	simm.s32 $0xA000  }
0x8: {  	s16 =	simm.s32 $0xA800;
	s1 =	sand.u32 $0x1, s1;
	[smem:$0x7FF] =	sst s2  }
0x9: {  	s3 =	sshll.u32 s3, $0x7;
	s4 =	sshll.u32 s1, $0x6;
	_ =	strace $0x8000004A  }
0xa: {  	s1 =	ssub.s32 $0x2, s1;
	s4 =	sor.u32 s4, s3;
	s3 =	sadd.s32 $0x413000, s0  }
0xb: {  	s23 =	sshrl.u32 s1, $0x1;
	s5 =	sshrl.u32 s4, $0x3;
	s4 =	sshll.u32 s4, $0x7  }
0xc: {  	s1 =	ssub.s32 s1, s23;
	s23 =	simm.s32 $0x2000;
	s6 =	sadd.s32 s5, s0  }
0xd: {  	s7 =	sadd.s32 s4, s0;
	s4 =	sadd.s32 $0x413100, s0;
	s24 =	sadd.s32 $0x52E00, s6  }
0xe: {  	s5 =	sadd.s32 $0x413200, s0;
	s8 =	sadd.s32 $0x2E00, s7;
	[dreg:$0x2] =	wrdreg s24  }
0xf: {  	s25 =	sadd.s32 $0x52F00, s6;
	s6 =	sadd.s32 $0x413300, s0;
	[dreg:$0x3] =	wrdreg s8  }
0x10: {  	v2 =	vlaneseq.u32;
	s26 =	sadd.s32 $0x53000, s7;
	s7 =	smax.u32 s1, $0x1;
	[dreg:$0x4] =	wrdreg s25  }
0x11: {  	vm0 =	vmmov $0xffff;
	v1 =	vshrl.u32 v2, $0x3;
	s1 =	simm.s32 $0x6800;
	[dreg:$0x5] =	wrdreg s26;
	s24 =	simm.s32 $0x2800  }
0x12: {  	v0 =	vand.u32 $0x7, v2;
	v2 =	vor.u32 $0x8, v2;
	v1 =	vmul.u32 $0x8, v1;
	s25 =	simm.s32 $0x3000;
	s26 =	simm.s32 $0x3800;
	s8 =	simm.s32 $0x7000  }
.LBB2_1:
0x13: {  	s18 =	rddreg [dreg:$0x2]  }
0x14: {  	[tilespmem:s19], [sflag:$0x2] =	stream.linear.gather [hbm4b:s18+s2], $0x40, $0x38;
	[tilespmem:$0x10080] =	vst v63  }
0x15: {  	_ =	swait.ge [sflag:s9], $0x40  }
0x16: {  	[sflag:s9] =	ssyncset.done $0x0  }
0x17: {  	[sflag:s9] =	ssyncadd.s32 $0xFFFFFFC0  }
0x18: {  	v3 =	vld [tilespmem:$0x10000];
	_ =	sdelay $0x4  }
0x19: {  	v4 =	vshll.u32 v3, $0x3  }
0x1a: {  	v3 =	vand.u32 $0x7, v3;
	v4 =	vand.u32 $0xFFFFFFC0, v4  }
0x1b: {  	v3 =	vor.u32 v3, v4  }
0x1c: {  	v4 =	vperm.xlane v3, v0;
	_ =	sdelay $0x1  }
0x1d: {  	v4 =	vadd.s32 v1, v4;
	_ =	sdelay $0x4  }
0x1e: {  	[tilespmem:s2], [sflag:$0x1] =	stream.indirect_vreg.gather [hbm4b:s3+s2], $0x80, v4, vm0, $0xb8;
	[tilespmem:$0x10080] =	vst v63  }
0x1f: {  	v3 =	vperm.xlane v3, v2  }
0x20: {  	[tilespmem:s20], [sflag:$0x1] =	stream.indirect_vreg.gather [hbm4b:s4+s2], $0x80, v4, vm0, $0xb8;
	[tilespmem:$0x10080] =	vst v63  }
0x21: {  	v3 =	vadd.s32 v1, v3  }
0x22: {  	[tilespmem:s21], [sflag:$0x1] =	stream.indirect_vreg.gather [hbm4b:s5+s2], $0x80, v4, vm0, $0xb8;
	[tilespmem:$0x10080] =	vst v63  }
0x23: {  	_ = 	snop  }
0x24: {  	[tilespmem:s22], [sflag:$0x1] =	stream.indirect_vreg.gather [hbm4b:s6+s2], $0x80, v4, vm0, $0xb8;
	[tilespmem:$0x10080] =	vst v63  }
0x25: {  	_ = 	snop  }
0x26: {  	[tilespmem:s23], [sflag:$0x1] =	stream.indirect_vreg.gather [hbm4b:s3+s2], $0x80, v3, vm0, $0xb8;
	[tilespmem:$0x10080] =	vst v63  }
0x27: {  	_ = 	snop  }
0x28: {  	[tilespmem:s24], [sflag:$0x1] =	stream.indirect_vreg.gather [hbm4b:s4+s2], $0x80, v3, vm0, $0xb8;
	[tilespmem:$0x10080] =	vst v63  }
0x29: {  	_ = 	snop  }
0x2a: {  	[tilespmem:s25], [sflag:$0x1] =	stream.indirect_vreg.gather [hbm4b:s5+s2], $0x80, v3, vm0, $0xb8;
	[tilespmem:$0x10080] =	vst v63  }
0x2b: {  	_ = 	snop  }
0x2c: {  	[tilespmem:s26], [sflag:$0x1] =	stream.indirect_vreg.gather [hbm4b:s6+s2], $0x80, v3, vm0, $0xb8;
	[tilespmem:$0x10080] =	vst v63  }
0x2d: {  	v3 =	vld [tilespmem:$0x10010];
	_ =	sdelay $0x4  }
0x2e: {  	v57 =	vshll.u32 v3, $0x3  }
0x2f: {  	v3 =	vand.u32 $0x7, v3;
	v4 =	vand.u32 $0xFFFFFFC0, v57  }
0x30: {  	v3 =	vor.u32 v3, v4  }
0x31: {  	v4 =	vperm.xlane v3, v0;
	_ =	sdelay $0x1  }
0x32: {  	v4 =	vadd.s32 v1, v4;
	_ =	sdelay $0x4  }
0x33: {  	[tilespmem:s28], [sflag:$0x1] =	stream.indirect_vreg.gather [hbm4b:s3+s2], $0x80, v4, vm0, $0xb8;
	[tilespmem:$0x10080] =	vst v63  }
0x34: {  	v3 =	vperm.xlane v3, v2  }
0x35: {  	[tilespmem:s29], [sflag:$0x1] =	stream.indirect_vreg.gather [hbm4b:s4+s2], $0x80, v4, vm0, $0xb8;
	[tilespmem:$0x10080] =	vst v63  }
0x36: {  	v3 =	vadd.s32 v1, v3  }
0x37: {  	[tilespmem:s30], [sflag:$0x1] =	stream.indirect_vreg.gather [hbm4b:s5+s2], $0x80, v4, vm0, $0xb8;
	[tilespmem:$0x10080] =	vst v63  }
0x38: {  	_ = 	snop  }
0x39: {  	[tilespmem:s31], [sflag:$0x1] =	stream.indirect_vreg.gather [hbm4b:s6+s2], $0x80, v4, vm0, $0xb8;
	[tilespmem:$0x10080] =	vst v63  }
0x3a: {  	s0 =	simm.s32 $0x6000  }
0x3b: {  	[tilespmem:s0], [sflag:$0x1] =	stream.indirect_vreg.gather [hbm4b:s3+s2], $0x80, v3, vm0, $0xb8;
	[tilespmem:$0x10080] =	vst v63  }
0x3c: {  	_ = 	snop  }
0x3d: {  	[tilespmem:s1], [sflag:$0x1] =	stream.indirect_vreg.gather [hbm4b:s4+s2], $0x80, v3, vm0, $0xb8;
	[tilespmem:$0x10080] =	vst v63  }
0x3e: {  	_ = 	snop  }
0x3f: {  	[tilespmem:s8], [sflag:$0x1] =	stream.indirect_vreg.gather [hbm4b:s5+s2], $0x80, v3, vm0, $0xb8;
	[tilespmem:$0x10080] =	vst v63  }
0x40: {  	_ = 	snop  }
0x41: {  	[tilespmem:s10], [sflag:$0x1] =	stream.indirect_vreg.gather [hbm4b:s6+s2], $0x80, v3, vm0, $0xb8;
	[tilespmem:$0x10080] =	vst v63  }
0x42: {  	v3 =	vld [tilespmem:$0x10020];
	_ =	sdelay $0x4  }
0x43: {  	v58 =	vshll.u32 v3, $0x3  }
0x44: {  	v3 =	vand.u32 $0x7, v3;
	v4 =	vand.u32 $0xFFFFFFC0, v58  }
0x45: {  	v3 =	vor.u32 v3, v4  }
0x46: {  	v4 =	vperm.xlane v3, v0;
	_ =	sdelay $0x1  }
0x47: {  	v4 =	vadd.s32 v1, v4;
	_ =	sdelay $0x4  }
0x48: {  	[tilespmem:s11], [sflag:$0x1] =	stream.indirect_vreg.gather [hbm4b:s3+s2], $0x80, v4, vm0, $0xb8;
	[tilespmem:$0x10080] =	vst v63  }
0x49: {  	v3 =	vperm.xlane v3, v2  }
0x4a: {  	[tilespmem:s12], [sflag:$0x1] =	stream.indirect_vreg.gather [hbm4b:s4+s2], $0x80, v4, vm0, $0xb8;
	[tilespmem:$0x10080] =	vst v63  }
0x4b: {  	v3 =	vadd.s32 v1, v3  }
0x4c: {  	[tilespmem:s13], [sflag:$0x1] =	stream.indirect_vreg.gather [hbm4b:s5+s2], $0x80, v4, vm0, $0xb8;
	[tilespmem:$0x10080] =	vst v63  }
0x4d: {  	_ = 	snop  }
0x4e: {  	[tilespmem:s14], [sflag:$0x1] =	stream.indirect_vreg.gather [hbm4b:s6+s2], $0x80, v4, vm0, $0xb8;
	[tilespmem:$0x10080] =	vst v63  }
0x4f: {  	_ = 	snop  }
0x50: {  	[tilespmem:s15], [sflag:$0x1] =	stream.indirect_vreg.gather [hbm4b:s3+s2], $0x80, v3, vm0, $0xb8;
	[tilespmem:$0x10080] =	vst v63  }
0x51: {  	_ = 	snop  }
0x52: {  	[tilespmem:s16], [sflag:$0x1] =	stream.indirect_vreg.gather [hbm4b:s4+s2], $0x80, v3, vm0, $0xb8;
	[tilespmem:$0x10080] =	vst v63  }
0x53: {  	s18 =	simm.s32 $0xB000  }
0x54: {  	[tilespmem:s18], [sflag:$0x1] =	stream.indirect_vreg.gather [hbm4b:s5+s2], $0x80, v3, vm0, $0xb8;
	[tilespmem:$0x10080] =	vst v63  }
0x55: {  	s18 =	simm.s32 $0xB800  }
0x56: {  	[tilespmem:s18], [sflag:$0x1] =	stream.indirect_vreg.gather [hbm4b:s6+s2], $0x80, v3, vm0, $0xb8;
	[tilespmem:$0x10080] =	vst v63  }
0x57: {  	v3 =	vld [tilespmem:$0x10030];
	_ =	sdelay $0x4  }
0x58: {  	v59 =	vshll.u32 v3, $0x3  }
0x59: {  	v3 =	vand.u32 $0x7, v3;
	v4 =	vand.u32 $0xFFFFFFC0, v59  }
0x5a: {  	v3 =	vor.u32 v3, v4  }
0x5b: {  	v4 =	vperm.xlane v3, v0;
	_ =	sdelay $0x1  }
0x5c: {  	v4 =	vadd.s32 v1, v4;
	_ =	sdelay $0x3  }
0x5d: {  	s18 =	simm.s32 $0xC000  }
0x5e: {  	[tilespmem:s18], [sflag:$0x1] =	stream.indirect_vreg.gather [hbm4b:s3+s2], $0x80, v4, vm0, $0xb8;
	[tilespmem:$0x10080] =	vst v63  }
0x5f: {  	v3 =	vperm.xlane v3, v2;
	s18 =	simm.s32 $0xC800  }
0x60: {  	[tilespmem:s18], [sflag:$0x1] =	stream.indirect_vreg.gather [hbm4b:s4+s2], $0x80, v4, vm0, $0xb8;
	[tilespmem:$0x10080] =	vst v63  }
0x61: {  	v3 =	vadd.s32 v1, v3;
	s18 =	simm.s32 $0xD000  }
0x62: {  	[tilespmem:s18], [sflag:$0x1] =	stream.indirect_vreg.gather [hbm4b:s5+s2], $0x80, v4, vm0, $0xb8;
	[tilespmem:$0x10080] =	vst v63  }
0x63: {  	s18 =	simm.s32 $0xD800  }
0x64: {  	[tilespmem:s18], [sflag:$0x1] =	stream.indirect_vreg.gather [hbm4b:s6+s2], $0x80, v4, vm0, $0xb8;
	[tilespmem:$0x10080] =	vst v63  }
0x65: {  	s18 =	simm.s32 $0xE000  }
0x66: {  	[tilespmem:s18], [sflag:$0x1] =	stream.indirect_vreg.gather [hbm4b:s3+s2], $0x80, v3, vm0, $0xb8;
	[tilespmem:$0x10080] =	vst v63  }
0x67: {  	s18 =	simm.s32 $0xE800  }
0x68: {  	[tilespmem:s18], [sflag:$0x1] =	stream.indirect_vreg.gather [hbm4b:s4+s2], $0x80, v3, vm0, $0xb8;
	[tilespmem:$0x10080] =	vst v63  }
0x69: {  	s18 =	simm.s32 $0xF000  }
0x6a: {  	[tilespmem:s18], [sflag:$0x1] =	stream.indirect_vreg.gather [hbm4b:s5+s2], $0x80, v3, vm0, $0xb8;
	[tilespmem:$0x10080] =	vst v63  }
0x6b: {  	s18 =	simm.s32 $0xF800  }
0x6c: {  	[tilespmem:s18], [sflag:$0x1] =	stream.indirect_vreg.gather [hbm4b:s6+s2], $0x80, v3, vm0, $0xb8;
	[tilespmem:$0x10080] =	vst v63  }
0x6d: {  	_ =	swait.ge [sflag:s17], $0x10000  }
0x6e: {  	[sflag:s17] =	ssyncset.done $0x0  }
0x6f: {  	s18 =	rddreg [dreg:$0x3];
	[sflag:s17] =	ssyncadd.s32 $0xFFFF0000  }
0x70: {  	[hbm4b:s18+s2] =	stream.linear.scatter [tilespmem:s2], [sflag:$0x2], $0x10000, $0x38;
	[tilespmem:$0x10080] =	vst v63  }
0x71: {  	_ =	swait.ge [sflag:s9], $0x10000  }
0x72: {  	[sflag:s9] =	ssyncset.done $0x0  }
0x73: {  	s18 =	rddreg [dreg:$0x4];
	[sflag:s9] =	ssyncadd.s32 $0xFFFF0000  }
0x74: {  	[tilespmem:s19], [sflag:$0x2] =	stream.linear.gather [hbm4b:s18+s2], $0x40, $0x38;
	[tilespmem:$0x10080] =	vst v63  }
0x75: {  	_ =	swait.ge [sflag:s9], $0x40  }
0x76: {  	[sflag:s9] =	ssyncset.done $0x0  }
0x77: {  	[sflag:s9] =	ssyncadd.s32 $0xFFFFFFC0  }
0x78: {  	v3 =	vld [tilespmem:$0x10000];
	_ =	sdelay $0x4  }
0x79: {  	v60 =	vshll.u32 v3, $0x3  }
0x7a: {  	v3 =	vand.u32 $0x7, v3;
	v4 =	vand.u32 $0xFFFFFFC0, v60  }
0x7b: {  	v3 =	vor.u32 v3, v4  }
0x7c: {  	v4 =	vperm.xlane v3, v0;
	_ =	sdelay $0x1  }
0x7d: {  	v4 =	vadd.s32 v1, v4;
	_ =	sdelay $0x4  }
0x7e: {  	[tilespmem:s2], [sflag:$0x1] =	stream.indirect_vreg.gather [hbm4b:s3+s2], $0x80, v4, vm0, $0xb8;
	[tilespmem:$0x10080] =	vst v63  }
0x7f: {  	v3 =	vperm.xlane v3, v2  }
0x80: {  	[tilespmem:s20], [sflag:$0x1] =	stream.indirect_vreg.gather [hbm4b:s4+s2], $0x80, v4, vm0, $0xb8;
	[tilespmem:$0x10080] =	vst v63  }
0x81: {  	v3 =	vadd.s32 v1, v3  }
0x82: {  	[tilespmem:s21], [sflag:$0x1] =	stream.indirect_vreg.gather [hbm4b:s5+s2], $0x80, v4, vm0, $0xb8;
	[tilespmem:$0x10080] =	vst v63  }
0x83: {  	_ = 	snop  }
0x84: {  	[tilespmem:s22], [sflag:$0x1] =	stream.indirect_vreg.gather [hbm4b:s6+s2], $0x80, v4, vm0, $0xb8;
	[tilespmem:$0x10080] =	vst v63  }
0x85: {  	_ = 	snop  }
0x86: {  	[tilespmem:s23], [sflag:$0x1] =	stream.indirect_vreg.gather [hbm4b:s3+s2], $0x80, v3, vm0, $0xb8;
	[tilespmem:$0x10080] =	vst v63  }
0x87: {  	_ = 	snop  }
0x88: {  	[tilespmem:s24], [sflag:$0x1] =	stream.indirect_vreg.gather [hbm4b:s4+s2], $0x80, v3, vm0, $0xb8;
	[tilespmem:$0x10080] =	vst v63  }
0x89: {  	_ = 	snop  }
0x8a: {  	[tilespmem:s25], [sflag:$0x1] =	stream.indirect_vreg.gather [hbm4b:s5+s2], $0x80, v3, vm0, $0xb8;
	[tilespmem:$0x10080] =	vst v63  }
0x8b: {  	_ = 	snop  }
0x8c: {  	[tilespmem:s26], [sflag:$0x1] =	stream.indirect_vreg.gather [hbm4b:s6+s2], $0x80, v3, vm0, $0xb8;
	[tilespmem:$0x10080] =	vst v63  }
0x8d: {  	v3 =	vld [tilespmem:$0x10010];
	_ =	sdelay $0x4  }
0x8e: {  	v61 =	vshll.u32 v3, $0x3  }
0x8f: {  	v3 =	vand.u32 $0x7, v3;
	v4 =	vand.u32 $0xFFFFFFC0, v61  }
0x90: {  	v3 =	vor.u32 v3, v4  }
0x91: {  	v4 =	vperm.xlane v3, v0;
	_ =	sdelay $0x1  }
0x92: {  	v4 =	vadd.s32 v1, v4;
	_ =	sdelay $0x4  }
0x93: {  	[tilespmem:s28], [sflag:$0x1] =	stream.indirect_vreg.gather [hbm4b:s3+s2], $0x80, v4, vm0, $0xb8;
	[tilespmem:$0x10080] =	vst v63  }
0x94: {  	v3 =	vperm.xlane v3, v2  }
0x95: {  	[tilespmem:s29], [sflag:$0x1] =	stream.indirect_vreg.gather [hbm4b:s4+s2], $0x80, v4, vm0, $0xb8;
	[tilespmem:$0x10080] =	vst v63  }
0x96: {  	v3 =	vadd.s32 v1, v3  }
0x97: {  	[tilespmem:s30], [sflag:$0x1] =	stream.indirect_vreg.gather [hbm4b:s5+s2], $0x80, v4, vm0, $0xb8;
	[tilespmem:$0x10080] =	vst v63  }
0x98: {  	_ = 	snop  }
0x99: {  	[tilespmem:s31], [sflag:$0x1] =	stream.indirect_vreg.gather [hbm4b:s6+s2], $0x80, v4, vm0, $0xb8;
	[tilespmem:$0x10080] =	vst v63  }
0x9a: {  	_ = 	snop  }
0x9b: {  	[tilespmem:s0], [sflag:$0x1] =	stream.indirect_vreg.gather [hbm4b:s3+s2], $0x80, v3, vm0, $0xb8;
	[tilespmem:$0x10080] =	vst v63  }
0x9c: {  	_ = 	snop  }
0x9d: {  	[tilespmem:s1], [sflag:$0x1] =	stream.indirect_vreg.gather [hbm4b:s4+s2], $0x80, v3, vm0, $0xb8;
	[tilespmem:$0x10080] =	vst v63  }
0x9e: {  	_ = 	snop  }
0x9f: {  	[tilespmem:s8], [sflag:$0x1] =	stream.indirect_vreg.gather [hbm4b:s5+s2], $0x80, v3, vm0, $0xb8;
	[tilespmem:$0x10080] =	vst v63  }
0xa0: {  	_ = 	snop  }
0xa1: {  	[tilespmem:s10], [sflag:$0x1] =	stream.indirect_vreg.gather [hbm4b:s6+s2], $0x80, v3, vm0, $0xb8;
	[tilespmem:$0x10080] =	vst v63  }
0xa2: {  	v3 =	vld [tilespmem:$0x10020];
	_ =	sdelay $0x4  }
0xa3: {  	v62 =	vshll.u32 v3, $0x3  }
0xa4: {  	v3 =	vand.u32 $0x7, v3;
	v4 =	vand.u32 $0xFFFFFFC0, v62  }
0xa5: {  	v3 =	vor.u32 v3, v4  }
0xa6: {  	v4 =	vperm.xlane v3, v0;
	_ =	sdelay $0x1  }
0xa7: {  	v4 =	vadd.s32 v1, v4;
	_ =	sdelay $0x4  }
0xa8: {  	[tilespmem:s11], [sflag:$0x1] =	stream.indirect_vreg.gather [hbm4b:s3+s2], $0x80, v4, vm0, $0xb8;
	[tilespmem:$0x10080] =	vst v63  }
0xa9: {  	v3 =	vperm.xlane v3, v2  }
0xaa: {  	[tilespmem:s12], [sflag:$0x1] =	stream.indirect_vreg.gather [hbm4b:s4+s2], $0x80, v4, vm0, $0xb8;
	[tilespmem:$0x10080] =	vst v63  }
0xab: {  	v3 =	vadd.s32 v1, v3  }
0xac: {  	[tilespmem:s13], [sflag:$0x1] =	stream.indirect_vreg.gather [hbm4b:s5+s2], $0x80, v4, vm0, $0xb8;
	[tilespmem:$0x10080] =	vst v63  }
0xad: {  	_ = 	snop  }
0xae: {  	[tilespmem:s14], [sflag:$0x1] =	stream.indirect_vreg.gather [hbm4b:s6+s2], $0x80, v4, vm0, $0xb8;
	[tilespmem:$0x10080] =	vst v63  }
0xaf: {  	_ = 	snop  }
0xb0: {  	[tilespmem:s15], [sflag:$0x1] =	stream.indirect_vreg.gather [hbm4b:s3+s2], $0x80, v3, vm0, $0xb8;
	[tilespmem:$0x10080] =	vst v63  }
0xb1: {  	_ = 	snop  }
0xb2: {  	[tilespmem:s16], [sflag:$0x1] =	stream.indirect_vreg.gather [hbm4b:s4+s2], $0x80, v3, vm0, $0xb8;
	[tilespmem:$0x10080] =	vst v63  }
0xb3: {  	s18 =	simm.s32 $0xB000  }
0xb4: {  	[tilespmem:s18], [sflag:$0x1] =	stream.indirect_vreg.gather [hbm4b:s5+s2], $0x80, v3, vm0, $0xb8;
	[tilespmem:$0x10080] =	vst v63  }
0xb5: {  	s18 =	simm.s32 $0xB800  }
0xb6: {  	[tilespmem:s18], [sflag:$0x1] =	stream.indirect_vreg.gather [hbm4b:s6+s2], $0x80, v3, vm0, $0xb8;
	[tilespmem:$0x10080] =	vst v63  }
0xb7: {  	v3 =	vld [tilespmem:$0x10030];
	_ =	sdelay $0x4  }
0xb8: {  	v63 =	vshll.u32 v3, $0x3  }
0xb9: {  	v3 =	vand.u32 $0x7, v3;
	v4 =	vand.u32 $0xFFFFFFC0, v63  }
0xba: {  	v3 =	vor.u32 v3, v4  }
0xbb: {  	v4 =	vperm.xlane v3, v0;
	_ =	sdelay $0x1  }
0xbc: {  	v4 =	vadd.s32 v1, v4;
	_ =	sdelay $0x3  }
0xbd: {  	s18 =	simm.s32 $0xC000  }
0xbe: {  	[tilespmem:s18], [sflag:$0x1] =	stream.indirect_vreg.gather [hbm4b:s3+s2], $0x80, v4, vm0, $0xb8;
	[tilespmem:$0x10080] =	vst v63  }
0xbf: {  	v3 =	vperm.xlane v3, v2;
	s18 =	simm.s32 $0xC800  }
0xc0: {  	[tilespmem:s18], [sflag:$0x1] =	stream.indirect_vreg.gather [hbm4b:s4+s2], $0x80, v4, vm0, $0xb8;
	[tilespmem:$0x10080] =	vst v63  }
0xc1: {  	v3 =	vadd.s32 v1, v3;
	s18 =	simm.s32 $0xD000  }
0xc2: {  	[tilespmem:s18], [sflag:$0x1] =	stream.indirect_vreg.gather [hbm4b:s5+s2], $0x80, v4, vm0, $0xb8;
	[tilespmem:$0x10080] =	vst v63  }
0xc3: {  	s18 =	simm.s32 $0xD800  }
0xc4: {  	[tilespmem:s18], [sflag:$0x1] =	stream.indirect_vreg.gather [hbm4b:s6+s2], $0x80, v4, vm0, $0xb8;
	[tilespmem:$0x10080] =	vst v63  }
0xc5: {  	s18 =	simm.s32 $0xE000  }
0xc6: {  	[tilespmem:s18], [sflag:$0x1] =	stream.indirect_vreg.gather [hbm4b:s3+s2], $0x80, v3, vm0, $0xb8;
	[tilespmem:$0x10080] =	vst v63  }
0xc7: {  	s18 =	simm.s32 $0xE800  }
0xc8: {  	[tilespmem:s18], [sflag:$0x1] =	stream.indirect_vreg.gather [hbm4b:s4+s2], $0x80, v3, vm0, $0xb8;
	[tilespmem:$0x10080] =	vst v63  }
0xc9: {  	s18 =	simm.s32 $0xF000  }
0xca: {  	[tilespmem:s18], [sflag:$0x1] =	stream.indirect_vreg.gather [hbm4b:s5+s2], $0x80, v3, vm0, $0xb8;
	[tilespmem:$0x10080] =	vst v63  }
0xcb: {  	s18 =	simm.s32 $0xF800  }
0xcc: {  	[tilespmem:s18], [sflag:$0x1] =	stream.indirect_vreg.gather [hbm4b:s6+s2], $0x80, v3, vm0, $0xb8;
	[tilespmem:$0x10080] =	vst v63  }
0xcd: {  	_ =	swait.ge [sflag:s17], $0x10000  }
0xce: {  	p0 =	sne.s32 s7, $0x1;
	[sflag:s17] =	ssyncset.done $0x0  }
.Ltmp0:
0xcf: {  	s0 =	rddreg [dreg:$0x5];
	[sflag:s17] =	ssyncadd.s32 $0xFFFF0000;
	(pc) =	sbr.rel @p0 .LBB2_1-.Ltmp0, $4  }
0xd0: {  	[hbm4b:s0+s2] =	stream.linear.scatter [tilespmem:s2], [sflag:$0x2], $0x10000, $0x38;
	[tilespmem:$0x10080] =	vst v63  }
0xd1: {  	_ =	swait.ge [sflag:s9], $0x10000  }
0xd2: {  	[sflag:s9] =	ssyncset.done $0x0  }
0xd3: {  	s7 =	sadd.s32 $0xFFFFFFFF, s7;
	[sflag:s9] =	ssyncadd.s32 $0xFFFF0000  }
0xd4: {  	_ =	sfence.sel $0x180000  }
0xd5: {  	[bflag:$0x0] =	sbarrier.arrive $0xFFFF  }
0xd6: {  	_ =	strace $0x9000004A  }
0xd7: {  	s0 =	stileid.u32;
	[bflag:$0x2] =	sbarrier.arrive $0xFFFF  }
0xd8: {  	p0 =	sne.s32 s0, $0x0;
	s0 =	rddreg [dreg:$0x1]  }
0xd9: {  	s0 =	sadd.s32 @!p0 $0x100000, s0  }
0xda: {  	[sflag:s0] =	ssyncadd.tile.s32 @!p0 $0x1;
	_ =	shalt  }
.Lfunc_end2:
_tile_overlayer_lowered:
.L_overlay_start_2:
0xdb: {  	(tag) =	ssettag $0x2  }
0xdc: {  	s0 =	rddreg [dreg:$0x0];
	s2 =	stileid.u32  }
0xdd: {  	s1 =	rddreg [dreg:$0x1];
	p0 =	sne.s32 s2, $0x0  }
0xde: {  	s3 =	rddreg [dreg:$0x2];
	[bflag:$0x3] =	sbarrier.arrive $0xFFFF;
	s2 =	simm.s32 @!p0 $0x1C02  }
0xdf: {  	[timem:s3], [sflag:s2] =	dma.local @!p0 [hbm:s0], s1  }
0xe0: {  	s0 =	simm.s32 @!p0 $0x2  }
0xe1: {  	_ =	swait.ge @!p0 [sflag:s0], s1  }
0xe2: {  	s1 =	ssub.s32 @!p0 $0x0, s1;
	[sflag:s0] =	ssyncset.done @!p0 $0x0  }
0xe3: {  	[sflag:s0] =	ssyncadd.s32 @!p0 s1  }
0xe4: {  	[bflag:$0x3] =	sbarrier.arrive $0xFFFF  }
0xe5: {  	_ =	shalt  }

</sc_bundles>
